<compile_context>
chip_gen: v7x
topology: tpu7x:2x2x1
jax: 0.10.2.dev20260603
libtpu: 0.0.44.dev20260713+nightly
codegen_flags: <defaults>
</compile_context>

<pallas_src>
import functools
import math

import jax
import jax.numpy as jnp
from jax import lax
from jax.experimental import pallas as pl
from jax.experimental.pallas import tpu as pltpu
from jax.experimental.pallas import tpu_sc as plsc

D_MODEL = 64
SCALE = math.sqrt(D_MODEL)
NC, NS, L = 2, 16, 16
NW = NC * NS

B_TOTAL = 4096 * 200
BPW = B_TOTAL // NW
CHUNK = 128
NCHUNK = BPW // CHUNK
NBUF = 4

_mesh = plsc.VectorSubcoreMesh(
    core_axis_name="c", subcore_axis_name="s", num_cores=NC, num_subcores=NS
)


@functools.partial(
    pl.kernel,
    out_type=jax.ShapeDtypeStruct((B_TOTAL, 2 * D_MODEL), jnp.float32),
    mesh=_mesh,
    scratch_types=[
        pltpu.VMEM((BPW,), jnp.int32),
        pltpu.VMEM((NBUF, CHUNK, D_MODEL), jnp.float32),
        pltpu.VMEM((NBUF, CHUNK, 2 * D_MODEL), jnp.float32),
        pltpu.SemaphoreType.DMA((NBUF,)),
        pltpu.SemaphoreType.DMA((NBUF,)),
    ],
    compiler_params=pltpu.CompilerParams(use_tc_tiling_on_sc=False),
)
def _emb_lookup(x_hbm, lut_hbm, out_hbm, idx_v, rows, wrows, gsem, osem):
    wid = lax.axis_index("s") * NC + lax.axis_index("c")
    base = wid * BPW
    pltpu.sync_copy(x_hbm.at[pl.ds(base, BPW)], idx_v)

    def gather(g, b):
        return pltpu.async_copy(
            lut_hbm.at[idx_v.at[pl.ds(g * CHUNK, CHUNK)]],
            rows.at[b], gsem.at[b]
        )

    def gather_wait(g, b):
        pltpu.make_async_copy(
            lut_hbm.at[idx_v.at[pl.ds(g * CHUNK, CHUNK)]],
            rows.at[b], gsem.at[b]
        ).wait()

    def outcopy(g, b):
        return pltpu.async_copy(
            wrows.at[b], out_hbm.at[pl.ds(base + g * CHUNK, CHUNK)], osem.at[b]
        )

    def outcopy_wait(g, b):
        pltpu.make_async_copy(
            wrows.at[b], out_hbm.at[pl.ds(base + g * CHUNK, CHUNK)], osem.at[b]
        ).wait()

    def scale(b):
        @plsc.parallel_loop(0, CHUNK, 1, unroll=4)
        def _row(r):
            for l in range(D_MODEL // L):
                v = rows[b, r, pl.ds(l * L, L)]
                wrows[b, r, pl.ds(l * L, L)] = v * SCALE

    gather(0, 0)
    gather(1, 1)

    @pl.loop(0, NCHUNK // NBUF)
    def _quad(t):
        g0 = t * NBUF
        for b in range(NBUF):
            g = g0 + b
            hb = (b + 2) % NBUF
            if b < 2:
                @pl.when(t > 0)
                def _():
                    outcopy_wait(g - 2, hb)
                gather(g + 2, hb)
            else:
                outcopy_wait(g - 2, hb)
                @pl.when(g + 2 < NCHUNK)
                def _():
                    gather(g + 2, hb)
            gather_wait(g, b)
            scale(b)
            outcopy(g, b)

    outcopy_wait(NCHUNK - 2, (NCHUNK - 2) % NBUF)
    outcopy_wait(NCHUNK - 1, (NCHUNK - 1) % NBUF)


def kernel(x, lut):
    out = _emb_lookup(x.reshape(-1).astype(jnp.int32), lut)
    return out[:, :D_MODEL].reshape(x.shape + (D_MODEL,))

# --- scband reference (transcript-rebuilt; emitter-appended) ---
"""Pipeline reference for scband-embeddings-18622978195726 (READ-ONLY COPY).

The authoritative reference and input builder live on the scoring server;
editing this copy changes nothing except your own understanding.
"""

import jax, jax.numpy as jnp
import numpy as np
import math

D_MODEL = 64
VOCAB = 1000000

def setup_inputs(seed: int = 0) -> dict:
    key = jax.random.key(seed)
    k1, k2 = jax.random.split(key)
    x = jax.random.randint(k1, (4096, 200), 0, VOCAB, dtype=jnp.int64 if jax.config.jax_enable_x64 else jnp.int32)
    lut = jax.random.normal(k2, (VOCAB, D_MODEL), dtype=jnp.float32) * 0.02
    return {"x": x, "lut": lut}

def reference(x, lut):
    # Faithful translation of Embeddings.forward: lut(x) * sqrt(d_model)
    emb = jnp.take(lut, x, axis=0)
    return emb * math.sqrt(D_MODEL)

if __name__ == "__main__":
    import jax
    _d = setup_inputs()
    print(jax.jit(kernel)(*tuple(_d.values())))

</pallas_src>

<mosaic_0001>
#map = affine_map<(d0, d1) -> (0)>
#map1 = affine_map<(d0, d1) -> (0, 0)>
module attributes {stable_mosaic.version = 14 : i64} {
  func.func @_emb_lookup(%arg0: i32, %arg1: i32, %arg2: memref<819200xi32, #tpu.memory_space<hbm>>, %arg3: memref<1000000x64xf32, #tpu.memory_space<hbm>>, %arg4: memref<819200x128xf32, #tpu.memory_space<hbm>>, %arg5: memref<25600xi32, #tpu.memory_space<vmem>>, %arg6: memref<4x128x64xf32, #tpu.memory_space<vmem>>, %arg7: memref<4x128x128xf32, #tpu.memory_space<vmem>>, %arg8: memref<4x!tpu.dma_semaphore, #tpu.memory_space<semaphore_mem>>, %arg9: memref<4x!tpu.dma_semaphore, #tpu.memory_space<semaphore_mem>>) attributes {dimension_semantics = [#tpu.dimension_semantics<core_parallel>, #tpu.dimension_semantics<subcore_parallel>], iteration_bounds = array<i64: 2, 16>, scalar_prefetch = 0 : i64, scratch_operands = 5 : i64, tpu.core_type = #tpu.core_type<sc_vector_subcore>, window_params = [{transform_indices = #map}, {transform_indices = #map1}, {transform_indices = #map1}]} {
    %mul3A = arith.constant 2 : i32
    %mul3A_0 = arith.muli %arg1, %mul3A : i32
    %add3A = arith.addi %mul3A_0, %arg0 : i32
    %mul3A_1 = arith.constant 25600 : i32
    %mul3A_2 = arith.muli %add3A, %mul3A_1 : i32
    "tpu.region"() ({
      %run_scoped3A = tpu.sem_alloc : memref<!tpu.dma_semaphore, #tpu.memory_space<semaphore_mem>>
      %dma_start3A_67 = tpu.memref_slice %arg2[%mul3A_2] : memref<819200xi32, #tpu.memory_space<hbm>> -> memref<25600xi32, #tpu.memory_space<hbm>>
      %dma_start3A_68 = tpu.memref_slice %arg2[%mul3A_2] : memref<819200xi32, #tpu.memory_space<hbm>> -> memref<25600xi32, #tpu.memory_space<hbm>>
      tpu.enqueue_dma source(%dma_start3A_68 : memref<25600xi32, #tpu.memory_space<hbm>>) target(%arg5 : memref<25600xi32, #tpu.memory_space<vmem>>) target_semaphore(%run_scoped3A : memref<!tpu.dma_semaphore, #tpu.memory_space<semaphore_mem>>)
      %dma_wait3A_69 = tpu.memref_slice %arg2[%mul3A_2] : memref<819200xi32, #tpu.memory_space<hbm>> -> memref<25600xi32, #tpu.memory_space<hbm>>
      %dma_wait3A_70 = tpu.memref_slice %arg2[%mul3A_2] : memref<819200xi32, #tpu.memory_space<hbm>> -> memref<25600xi32, #tpu.memory_space<hbm>>
      tpu.wait_dma2 semaphore(%run_scoped3A : memref<!tpu.dma_semaphore, #tpu.memory_space<semaphore_mem>>) src(%dma_wait3A_70 : memref<25600xi32, #tpu.memory_space<hbm>>) dst(%arg5 : memref<25600xi32, #tpu.memory_space<vmem>>)
      tpu.yield
    }) : () -> ()
    %dma_start3A = arith.constant 0 : i32
    %dma_start3A_3 = arith.constant 0 : i32
    %dma_start3A_4 = arith.constant 0 : i32
    %dma_start3A_5 = arith.constant 0 : i32
    %dma_start3A_6 = tpu.memref_slice %arg6[%dma_start3A, %dma_start3A_4, %dma_start3A_5] : memref<4x128x64xf32, #tpu.memory_space<vmem>> -> memref<1x128x64xf32, #tpu.memory_space<vmem>>
    %dma_start3A_7 = tpu.memref_squeeze %dma_start3A_6 : memref<1x128x64xf32, #tpu.memory_space<vmem>> -> memref<128x64xf32, #tpu.memory_space<vmem>>
    %dma_start3A_8 = arith.constant 0 : i32
    %dma_start3A_9 = tpu.memref_slice %arg5[%dma_start3A_8] : memref<25600xi32, #tpu.memory_space<vmem>> -> memref<128xi32, #tpu.memory_space<vmem>>
    %dma_start3A_10 = arith.constant 0 : i32
    %dma_start3A_11 = arith.constant 0 : i32
    %dma_start3A_12 = tpu.memref_slice %arg3[%dma_start3A_10, %dma_start3A_11] : memref<1000000x64xf32, #tpu.memory_space<hbm>> -> memref<1000000x64xf32, #tpu.memory_space<hbm>>
    %dma_start3A_13 = tpu.memref_slice %arg8[%dma_start3A_3] : memref<4x!tpu.dma_semaphore, #tpu.memory_space<semaphore_mem>> -> memref<1x!tpu.dma_semaphore, #tpu.memory_space<semaphore_mem>>
    %dma_start3A_14 = tpu.memref_squeeze %dma_start3A_13 : memref<1x!tpu.dma_semaphore, #tpu.memory_space<semaphore_mem>> -> memref<!tpu.dma_semaphore, #tpu.memory_space<semaphore_mem>>
    tpu.enqueue_indirect_dma source(%dma_start3A_12 : memref<1000000x64xf32, #tpu.memory_space<hbm>>) target(%dma_start3A_7 : memref<128x64xf32, #tpu.memory_space<vmem>>) offsets(%dma_start3A_9 : memref<128xi32, #tpu.memory_space<vmem>>) semaphore(%dma_start3A_14 : memref<!tpu.dma_semaphore, #tpu.memory_space<semaphore_mem>>)
    %dma_start3A_15 = arith.constant 1 : i32
    %dma_start3A_16 = arith.constant 1 : i32
    %dma_start3A_17 = arith.constant 0 : i32
    %dma_start3A_18 = arith.constant 0 : i32
    %dma_start3A_19 = tpu.memref_slice %arg6[%dma_start3A_15, %dma_start3A_17, %dma_start3A_18] : memref<4x128x64xf32, #tpu.memory_space<vmem>> -> memref<1x128x64xf32, #tpu.memory_space<vmem>>
    %dma_start3A_20 = tpu.memref_squeeze %dma_start3A_19 : memref<1x128x64xf32, #tpu.memory_space<vmem>> -> memref<128x64xf32, #tpu.memory_space<vmem>>
    %dma_start3A_21 = arith.constant 128 : i32
    %dma_start3A_22 = tpu.memref_slice %arg5[%dma_start3A_21] : memref<25600xi32, #tpu.memory_space<vmem>> -> memref<128xi32, #tpu.memory_space<vmem>>
    %dma_start3A_23 = arith.constant 0 : i32
    %dma_start3A_24 = arith.constant 0 : i32
    %dma_start3A_25 = tpu.memref_slice %arg3[%dma_start3A_23, %dma_start3A_24] : memref<1000000x64xf32, #tpu.memory_space<hbm>> -> memref<1000000x64xf32, #tpu.memory_space<hbm>>
    %dma_start3A_26 = tpu.memref_slice %arg8[%dma_start3A_16] : memref<4x!tpu.dma_semaphore, #tpu.memory_space<semaphore_mem>> -> memref<1x!tpu.dma_semaphore, #tpu.memory_space<semaphore_mem>>
    %dma_start3A_27 = tpu.memref_squeeze %dma_start3A_26 : memref<1x!tpu.dma_semaphore, #tpu.memory_space<semaphore_mem>> -> memref<!tpu.dma_semaphore, #tpu.memory_space<semaphore_mem>>
    tpu.enqueue_indirect_dma source(%dma_start3A_25 : memref<1000000x64xf32, #tpu.memory_space<hbm>>) target(%dma_start3A_20 : memref<128x64xf32, #tpu.memory_space<vmem>>) offsets(%dma_start3A_22 : memref<128xi32, #tpu.memory_space<vmem>>) semaphore(%dma_start3A_27 : memref<!tpu.dma_semaphore, #tpu.memory_space<semaphore_mem>>)
    %scan3A = arith.constant 0 : i32
    %scan3A_28 = arith.constant 50 : i32
    %scan3A_29 = arith.addi %scan3A, %scan3A_28 : i32
    %scan3A_30 = arith.constant 1 : i32
    scf.for %scan3A_67 = %scan3A to %scan3A_29 step %scan3A_30  : i32 {
      %mul3A_68 = arith.constant 1 : i32
      %mul3A_69 = arith.muli %scan3A_67, %mul3A_68 : i32
      %add3A_70 = arith.constant 0 : i32
      %add3A_71 = arith.addi %add3A_70, %mul3A_69 : i32
      %mul3A_72 = arith.constant 4 : i32
      %mul3A_73 = arith.muli %add3A_71, %mul3A_72 : i32
      %add3A_74 = arith.constant 0 : i32
      %add3A_75 = arith.addi %mul3A_73, %add3A_74 : i32
      %gt3A = arith.constant 0 : i32
      %gt3A_76 = arith.cmpi sgt, %add3A_71, %gt3A : i32
      %convert_element_type3A = arith.extui %gt3A_76 : i1 to i32
      %cond3A = arith.constant 0 : i32
      %cond3A_77 = arith.cmpi ne, %convert_element_type3A, %cond3A : i32
      scf.if %cond3A_77 {
        %sub3A_318 = arith.constant 2 : i32
        %sub3A_319 = arith.subi %add3A_75, %sub3A_318 : i32
        %mul3A_320 = arith.constant 128 : i32
        %mul3A_321 = arith.muli %sub3A_319, %mul3A_320 : i32
        %add3A_322 = arith.addi %mul3A_2, %mul3A_321 : i32
        %dma_wait3A_323 = arith.constant 2 : i32
        %dma_wait3A_324 = arith.constant 2 : i32
        %dma_wait3A_325 = arith.constant 0 : i32
        %dma_wait3A_326 = arith.constant 0 : i32
        %dma_wait3A_327 = tpu.memref_slice %arg7[%dma_wait3A_323, %dma_wait3A_325, %dma_wait3A_326] : memref<4x128x128xf32, #tpu.memory_space<vmem>> -> memref<1x128x128xf32, #tpu.memory_space<vmem>>
        %dma_wait3A_328 = tpu.memref_squeeze %dma_wait3A_327 : memref<1x128x128xf32, #tpu.memory_space<vmem>> -> memref<128x128xf32, #tpu.memory_space<vmem>>
        %dma_wait3A_329 = arith.constant 0 : i32
        %dma_wait3A_330 = tpu.memref_slice %arg4[%add3A_322, %dma_wait3A_329] : memref<819200x128xf32, #tpu.memory_space<hbm>> -> memref<128x128xf32, #tpu.memory_space<hbm>>
        %dma_wait3A_331 = tpu.memref_slice %arg9[%dma_wait3A_324] : memref<4x!tpu.dma_semaphore, #tpu.memory_space<semaphore_mem>> -> memref<1x!tpu.dma_semaphore, #tpu.memory_space<semaphore_mem>>
        %dma_wait3A_332 = tpu.memref_squeeze %dma_wait3A_331 : memref<1x!tpu.dma_semaphore, #tpu.memory_space<semaphore_mem>> -> memref<!tpu.dma_semaphore, #tpu.memory_space<semaphore_mem>>
        %dma_wait3A_333 = arith.constant 0 : i32
        %dma_wait3A_334 = tpu.memref_slice %arg4[%add3A_322, %dma_wait3A_333] : memref<819200x128xf32, #tpu.memory_space<hbm>> -> memref<128x128xf32, #tpu.memory_space<hbm>>
        %dma_wait3A_335 = arith.constant 0 : i32
        %dma_wait3A_336 = arith.constant 0 : i32
        %dma_wait3A_337 = tpu.memref_slice %arg7[%dma_wait3A_323, %dma_wait3A_335, %dma_wait3A_336] : memref<4x128x128xf32, #tpu.memory_space<vmem>> -> memref<1x128x128xf32, #tpu.memory_space<vmem>>
        %dma_wait3A_338 = tpu.memref_squeeze %dma_wait3A_337 : memref<1x128x128xf32, #tpu.memory_space<vmem>> -> memref<128x128xf32, #tpu.memory_space<vmem>>
        tpu.wait_dma2 semaphore(%dma_wait3A_332 : memref<!tpu.dma_semaphore, #tpu.memory_space<semaphore_mem>>) src(%dma_wait3A_338 : memref<128x128xf32, #tpu.memory_space<vmem>>) dst(%dma_wait3A_334 : memref<128x128xf32, #tpu.memory_space<hbm>>)
      } else {
      }
      %add3A_78 = arith.constant 2 : i32
      %add3A_79 = arith.addi %add3A_75, %add3A_78 : i32
      %mul3A_80 = arith.constant 128 : i32
      %mul3A_81 = arith.muli %add3A_79, %mul3A_80 : i32
      %dma_start3A_82 = arith.constant 2 : i32
      %dma_start3A_83 = arith.constant 2 : i32
      %dma_start3A_84 = arith.constant 0 : i32
      %dma_start3A_85 = arith.constant 0 : i32
      %dma_start3A_86 = tpu.memref_slice %arg6[%dma_start3A_82, %dma_start3A_84, %dma_start3A_85] : memref<4x128x64xf32, #tpu.memory_space<vmem>> -> memref<1x128x64xf32, #tpu.memory_space<vmem>>
      %dma_start3A_87 = tpu.memref_squeeze %dma_start3A_86 : memref<1x128x64xf32, #tpu.memory_space<vmem>> -> memref<128x64xf32, #tpu.memory_space<vmem>>
      %dma_start3A_88 = tpu.memref_slice %arg5[%mul3A_81] : memref<25600xi32, #tpu.memory_space<vmem>> -> memref<128xi32, #tpu.memory_space<vmem>>
      %dma_start3A_89 = arith.constant 0 : i32
      %dma_start3A_90 = arith.constant 0 : i32
      %dma_start3A_91 = tpu.memref_slice %arg3[%dma_start3A_89, %dma_start3A_90] : memref<1000000x64xf32, #tpu.memory_space<hbm>> -> memref<1000000x64xf32, #tpu.memory_space<hbm>>
      %dma_start3A_92 = tpu.memref_slice %arg8[%dma_start3A_83] : memref<4x!tpu.dma_semaphore, #tpu.memory_space<semaphore_mem>> -> memref<1x!tpu.dma_semaphore, #tpu.memory_space<semaphore_mem>>
      %dma_start3A_93 = tpu.memref_squeeze %dma_start3A_92 : memref<1x!tpu.dma_semaphore, #tpu.memory_space<semaphore_mem>> -> memref<!tpu.dma_semaphore, #tpu.memory_space<semaphore_mem>>
      tpu.enqueue_indirect_dma source(%dma_start3A_91 : memref<1000000x64xf32, #tpu.memory_space<hbm>>) target(%dma_start3A_87 : memref<128x64xf32, #tpu.memory_space<vmem>>) offsets(%dma_start3A_88 : memref<128xi32, #tpu.memory_space<vmem>>) semaphore(%dma_start3A_93 : memref<!tpu.dma_semaphore, #tpu.memory_space<semaphore_mem>>)
      %mul3A_94 = arith.constant 128 : i32
      %mul3A_95 = arith.muli %add3A_75, %mul3A_94 : i32
      %dma_wait3A_96 = arith.constant 0 : i32
      %dma_wait3A_97 = arith.constant 0 : i32
      %dma_wait3A_98 = arith.constant 0 : i32
      %dma_wait3A_99 = arith.constant 0 : i32
      %dma_wait3A_100 = tpu.memref_slice %arg6[%dma_wait3A_96, %dma_wait3A_98, %dma_wait3A_99] : memref<4x128x64xf32, #tpu.memory_space<vmem>> -> memref<1x128x64xf32, #tpu.memory_space<vmem>>
      %dma_wait3A_101 = tpu.memref_squeeze %dma_wait3A_100 : memref<1x128x64xf32, #tpu.memory_space<vmem>> -> memref<128x64xf32, #tpu.memory_space<vmem>>
      %dma_wait3A_102 = tpu.memref_slice %arg5[%mul3A_95] : memref<25600xi32, #tpu.memory_space<vmem>> -> memref<128xi32, #tpu.memory_space<vmem>>
      %dma_wait3A_103 = arith.constant 0 : i32
      %dma_wait3A_104 = arith.constant 0 : i32
      %dma_wait3A_105 = tpu.memref_slice %arg3[%dma_wait3A_103, %dma_wait3A_104] : memref<1000000x64xf32, #tpu.memory_space<hbm>> -> memref<1000000x64xf32, #tpu.memory_space<hbm>>
      %dma_wait3A_106 = tpu.memref_slice %arg8[%dma_wait3A_97] : memref<4x!tpu.dma_semaphore, #tpu.memory_space<semaphore_mem>> -> memref<1x!tpu.dma_semaphore, #tpu.memory_space<semaphore_mem>>
      %dma_wait3A_107 = tpu.memref_squeeze %dma_wait3A_106 : memref<1x!tpu.dma_semaphore, #tpu.memory_space<semaphore_mem>> -> memref<!tpu.dma_semaphore, #tpu.memory_space<semaphore_mem>>
      tpu.wait_indirect_dma semaphore(%dma_wait3A_107 : memref<!tpu.dma_semaphore, #tpu.memory_space<semaphore_mem>>) src(%dma_wait3A_105 : memref<1000000x64xf32, #tpu.memory_space<hbm>>) dst(%dma_wait3A_101 : memref<128x64xf32, #tpu.memory_space<vmem>>)
      %parallel_loop3A = arith.constant 0 : i32
      %parallel_loop3A_108 = arith.constant 128 : i32
      %parallel_loop3A_109 = arith.constant 1 : i32
      scf.for %parallel_loop3A_318 = %parallel_loop3A to %parallel_loop3A_108 step %parallel_loop3A_109  : i32 {
        %parallel_loop3A_319 = arith.constant 0 : i32
        %parallel_loop3A_320 = arith.index_cast %parallel_loop3A_319 : i32 to index
        %parallel_loop3A_321 = arith.index_cast %parallel_loop3A_318 : i32 to index
        %parallel_loop3A_322 = arith.constant 0 : index
        %parallel_loop3A_323 = tpu.vector_load %arg6[%parallel_loop3A_320, %parallel_loop3A_321, %parallel_loop3A_322] {strides = array<i32>} : memref<4x128x64xf32, #tpu.memory_space<vmem>>, vector<1x1x16xf32>,
        %parallel_loop3A_324 = vector.shape_cast %parallel_loop3A_323 : vector<1x1x16xf32> to vector<16xf32>
        %parallel_loop3A_325 = arith.constant 8.000000e+00 : f32
        %parallel_loop3A_326 = vector.broadcast %parallel_loop3A_325 : f32 to vector<16xf32>
        %parallel_loop3A_327 = arith.mulf %parallel_loop3A_324, %parallel_loop3A_326 : vector<16xf32>
        %parallel_loop3A_328 = arith.constant 0 : i32
        %parallel_loop3A_329 = arith.index_cast %parallel_loop3A_328 : i32 to index
        %parallel_loop3A_330 = arith.index_cast %parallel_loop3A_318 : i32 to index
        %parallel_loop3A_331 = arith.constant 0 : index
        %parallel_loop3A_332 = tpu.vector_load %arg7[%parallel_loop3A_329, %parallel_loop3A_330, %parallel_loop3A_331] {strides = array<i32>} : memref<4x128x128xf32, #tpu.memory_space<vmem>>, vector<1x1x16xf32>,
        %parallel_loop3A_333 = vector.shape_cast %parallel_loop3A_332 : vector<1x1x16xf32> to vector<16xf32>
        %parallel_loop3A_334 = vector.shape_cast %parallel_loop3A_327 : vector<16xf32> to vector<1x1x16xf32>
        tpu.vector_store %arg7[%parallel_loop3A_329, %parallel_loop3A_330, %parallel_loop3A_331], %parallel_loop3A_334 {strides = array<i32>} : memref<4x128x128xf32, #tpu.memory_space<vmem>>, vector<1x1x16xf32>,
        %parallel_loop3A_335 = arith.constant 0 : i32
        %parallel_loop3A_336 = arith.index_cast %parallel_loop3A_335 : i32 to index
        %parallel_loop3A_337 = arith.index_cast %parallel_loop3A_318 : i32 to index
        %parallel_loop3A_338 = arith.constant 16 : index
        %parallel_loop3A_339 = tpu.vector_load %arg6[%parallel_loop3A_336, %parallel_loop3A_337, %parallel_loop3A_338] {strides = array<i32>} : memref<4x128x64xf32, #tpu.memory_space<vmem>>, vector<1x1x16xf32>,
        %parallel_loop3A_340 = vector.shape_cast %parallel_loop3A_339 : vector<1x1x16xf32> to vector<16xf32>
        %parallel_loop3A_341 = arith.constant 8.000000e+00 : f32
        %parallel_loop3A_342 = vector.broadcast %parallel_loop3A_341 : f32 to vector<16xf32>
        %parallel_loop3A_343 = arith.mulf %parallel_loop3A_340, %parallel_loop3A_342 : vector<16xf32>
        %parallel_loop3A_344 = arith.constant 0 : i32
        %parallel_loop3A_345 = arith.index_cast %parallel_loop3A_344 : i32 to index
        %parallel_loop3A_346 = arith.index_cast %parallel_loop3A_318 : i32 to index
        %parallel_loop3A_347 = arith.constant 16 : index
        %parallel_loop3A_348 = tpu.vector_load %arg7[%parallel_loop3A_345, %parallel_loop3A_346, %parallel_loop3A_347] {strides = array<i32>} : memref<4x128x128xf32, #tpu.memory_space<vmem>>, vector<1x1x16xf32>,
        %parallel_loop3A_349 = vector.shape_cast %parallel_loop3A_348 : vector<1x1x16xf32> to vector<16xf32>
        %parallel_loop3A_350 = vector.shape_cast %parallel_loop3A_343 : vector<16xf32> to vector<1x1x16xf32>
        tpu.vector_store %arg7[%parallel_loop3A_345, %parallel_loop3A_346, %parallel_loop3A_347], %parallel_loop3A_350 {strides = array<i32>} : memref<4x128x128xf32, #tpu.memory_space<vmem>>, vector<1x1x16xf32>,
        %parallel_loop3A_351 = arith.constant 0 : i32
        %parallel_loop3A_352 = arith.index_cast %parallel_loop3A_351 : i32 to index
        %parallel_loop3A_353 = arith.index_cast %parallel_loop3A_318 : i32 to index
        %parallel_loop3A_354 = arith.constant 32 : index
        %parallel_loop3A_355 = tpu.vector_load %arg6[%parallel_loop3A_352, %parallel_loop3A_353, %parallel_loop3A_354] {strides = array<i32>} : memref<4x128x64xf32, #tpu.memory_space<vmem>>, vector<1x1x16xf32>,
        %parallel_loop3A_356 = vector.shape_cast %parallel_loop3A_355 : vector<1x1x16xf32> to vector<16xf32>
        %parallel_loop3A_357 = arith.constant 8.000000e+00 : f32
        %parallel_loop3A_358 = vector.broadcast %parallel_loop3A_357 : f32 to vector<16xf32>
        %parallel_loop3A_359 = arith.mulf %parallel_loop3A_356, %parallel_loop3A_358 : vector<16xf32>
        %parallel_loop3A_360 = arith.constant 0 : i32
        %parallel_loop3A_361 = arith.index_cast %parallel_loop3A_360 : i32 to index
        %parallel_loop3A_362 = arith.index_cast %parallel_loop3A_318 : i32 to index
        %parallel_loop3A_363 = arith.constant 32 : index
        %parallel_loop3A_364 = tpu.vector_load %arg7[%parallel_loop3A_361, %parallel_loop3A_362, %parallel_loop3A_363] {strides = array<i32>} : memref<4x128x128xf32, #tpu.memory_space<vmem>>, vector<1x1x16xf32>,
        %parallel_loop3A_365 = vector.shape_cast %parallel_loop3A_364 : vector<1x1x16xf32> to vector<16xf32>
        %parallel_loop3A_366 = vector.shape_cast %parallel_loop3A_359 : vector<16xf32> to vector<1x1x16xf32>
        tpu.vector_store %arg7[%parallel_loop3A_361, %parallel_loop3A_362, %parallel_loop3A_363], %parallel_loop3A_366 {strides = array<i32>} : memref<4x128x128xf32, #tpu.memory_space<vmem>>, vector<1x1x16xf32>,
        %parallel_loop3A_367 = arith.constant 0 : i32
        %parallel_loop3A_368 = arith.index_cast %parallel_loop3A_367 : i32 to index
        %parallel_loop3A_369 = arith.index_cast %parallel_loop3A_318 : i32 to index
        %parallel_loop3A_370 = arith.constant 48 : index
        %parallel_loop3A_371 = tpu.vector_load %arg6[%parallel_loop3A_368, %parallel_loop3A_369, %parallel_loop3A_370] {strides = array<i32>} : memref<4x128x64xf32, #tpu.memory_space<vmem>>, vector<1x1x16xf32>,
        %parallel_loop3A_372 = vector.shape_cast %parallel_loop3A_371 : vector<1x1x16xf32> to vector<16xf32>
        %parallel_loop3A_373 = arith.constant 8.000000e+00 : f32
        %parallel_loop3A_374 = vector.broadcast %parallel_loop3A_373 : f32 to vector<16xf32>
        %parallel_loop3A_375 = arith.mulf %parallel_loop3A_372, %parallel_loop3A_374 : vector<16xf32>
        %parallel_loop3A_376 = arith.constant 0 : i32
        %parallel_loop3A_377 = arith.index_cast %parallel_loop3A_376 : i32 to index
        %parallel_loop3A_378 = arith.index_cast %parallel_loop3A_318 : i32 to index
        %parallel_loop3A_379 = arith.constant 48 : index
        %parallel_loop3A_380 = tpu.vector_load %arg7[%parallel_loop3A_377, %parallel_loop3A_378, %parallel_loop3A_379] {strides = array<i32>} : memref<4x128x128xf32, #tpu.memory_space<vmem>>, vector<1x1x16xf32>,
        %parallel_loop3A_381 = vector.shape_cast %parallel_loop3A_380 : vector<1x1x16xf32> to vector<16xf32>
        %parallel_loop3A_382 = vector.shape_cast %parallel_loop3A_375 : vector<16xf32> to vector<1x1x16xf32>
        tpu.vector_store %arg7[%parallel_loop3A_377, %parallel_loop3A_378, %parallel_loop3A_379], %parallel_loop3A_382 {strides = array<i32>} : memref<4x128x128xf32, #tpu.memory_space<vmem>>, vector<1x1x16xf32>,
      } {sc.loop_unroll_factor = 4 : i64, sc.parallel_access}
      %mul3A_110 = arith.constant 128 : i32
      %mul3A_111 = arith.muli %add3A_75, %mul3A_110 : i32
      %add3A_112 = arith.addi %mul3A_2, %mul3A_111 : i32
      %dma_start3A_113 = arith.constant 0 : i32
      %dma_start3A_114 = arith.constant 0 : i32
      %dma_start3A_115 = arith.constant 0 : i32
      %dma_start3A_116 = arith.constant 0 : i32
      %dma_start3A_117 = tpu.memref_slice %arg7[%dma_start3A_113, %dma_start3A_115, %dma_start3A_116] : memref<4x128x128xf32, #tpu.memory_space<vmem>> -> memref<1x128x128xf32, #tpu.memory_space<vmem>>
      %dma_start3A_118 = tpu.memref_squeeze %dma_start3A_117 : memref<1x128x128xf32, #tpu.memory_space<vmem>> -> memref<128x128xf32, #tpu.memory_space<vmem>>
      %dma_start3A_119 = arith.constant 0 : i32
      %dma_start3A_120 = tpu.memref_slice %arg4[%add3A_112, %dma_start3A_119] : memref<819200x128xf32, #tpu.memory_space<hbm>> -> memref<128x128xf32, #tpu.memory_space<hbm>>
      %dma_start3A_121 = tpu.memref_slice %arg9[%dma_start3A_114] : memref<4x!tpu.dma_semaphore, #tpu.memory_space<semaphore_mem>> -> memref<1x!tpu.dma_semaphore, #tpu.memory_space<semaphore_mem>>
      %dma_start3A_122 = tpu.memref_squeeze %dma_start3A_121 : memref<1x!tpu.dma_semaphore, #tpu.memory_space<semaphore_mem>> -> memref<!tpu.dma_semaphore, #tpu.memory_space<semaphore_mem>>
      %dma_start3A_123 = arith.constant 0 : i32
      %dma_start3A_124 = tpu.memref_slice %arg4[%add3A_112, %dma_start3A_123] : memref<819200x128xf32, #tpu.memory_space<hbm>> -> memref<128x128xf32, #tpu.memory_space<hbm>>
      %dma_start3A_125 = arith.constant 0 : i32
      %dma_start3A_126 = arith.constant 0 : i32
      %dma_start3A_127 = tpu.memref_slice %arg7[%dma_start3A_113, %dma_start3A_125, %dma_start3A_126] : memref<4x128x128xf32, #tpu.memory_space<vmem>> -> memref<1x128x128xf32, #tpu.memory_space<vmem>>
      %dma_start3A_128 = tpu.memref_squeeze %dma_start3A_127 : memref<1x128x128xf32, #tpu.memory_space<vmem>> -> memref<128x128xf32, #tpu.memory_space<vmem>>
      tpu.enqueue_dma source(%dma_start3A_128 : memref<128x128xf32, #tpu.memory_space<vmem>>) target(%dma_start3A_124 : memref<128x128xf32, #tpu.memory_space<hbm>>) target_semaphore(%dma_start3A_122 : memref<!tpu.dma_semaphore, #tpu.memory_space<semaphore_mem>>)
      %add3A_129 = arith.constant 1 : i32
      %add3A_130 = arith.addi %mul3A_73, %add3A_129 : i32
      %gt3A_131 = arith.constant 0 : i32
      %gt3A_132 = arith.cmpi sgt, %add3A_71, %gt3A_131 : i32
      %convert_element_type3A_133 = arith.extui %gt3A_132 : i1 to i32
      %cond3A_134 = arith.constant 0 : i32
      %cond3A_135 = arith.cmpi ne, %convert_element_type3A_133, %cond3A_134 : i32
      scf.if %cond3A_135 {
        %sub3A_318 = arith.constant 2 : i32
        %sub3A_319 = arith.subi %add3A_130, %sub3A_318 : i32
        %mul3A_320 = arith.constant 128 : i32
        %mul3A_321 = arith.muli %sub3A_319, %mul3A_320 : i32
        %add3A_322 = arith.addi %mul3A_2, %mul3A_321 : i32
        %dma_wait3A_323 = arith.constant 3 : i32
        %dma_wait3A_324 = arith.constant 3 : i32
        %dma_wait3A_325 = arith.constant 0 : i32
        %dma_wait3A_326 = arith.constant 0 : i32
        %dma_wait3A_327 = tpu.memref_slice %arg7[%dma_wait3A_323, %dma_wait3A_325, %dma_wait3A_326] : memref<4x128x128xf32, #tpu.memory_space<vmem>> -> memref<1x128x128xf32, #tpu.memory_space<vmem>>
        %dma_wait3A_328 = tpu.memref_squeeze %dma_wait3A_327 : memref<1x128x128xf32, #tpu.memory_space<vmem>> -> memref<128x128xf32, #tpu.memory_space<vmem>>
        %dma_wait3A_329 = arith.constant 0 : i32
        %dma_wait3A_330 = tpu.memref_slice %arg4[%add3A_322, %dma_wait3A_329] : memref<819200x128xf32, #tpu.memory_space<hbm>> -> memref<128x128xf32, #tpu.memory_space<hbm>>
        %dma_wait3A_331 = tpu.memref_slice %arg9[%dma_wait3A_324] : memref<4x!tpu.dma_semaphore, #tpu.memory_space<semaphore_mem>> -> memref<1x!tpu.dma_semaphore, #tpu.memory_space<semaphore_mem>>
        %dma_wait3A_332 = tpu.memref_squeeze %dma_wait3A_331 : memref<1x!tpu.dma_semaphore, #tpu.memory_space<semaphore_mem>> -> memref<!tpu.dma_semaphore, #tpu.memory_space<semaphore_mem>>
        %dma_wait3A_333 = arith.constant 0 : i32
        %dma_wait3A_334 = tpu.memref_slice %arg4[%add3A_322, %dma_wait3A_333] : memref<819200x128xf32, #tpu.memory_space<hbm>> -> memref<128x128xf32, #tpu.memory_space<hbm>>
        %dma_wait3A_335 = arith.constant 0 : i32
        %dma_wait3A_336 = arith.constant 0 : i32
        %dma_wait3A_337 = tpu.memref_slice %arg7[%dma_wait3A_323, %dma_wait3A_335, %dma_wait3A_336] : memref<4x128x128xf32, #tpu.memory_space<vmem>> -> memref<1x128x128xf32, #tpu.memory_space<vmem>>
        %dma_wait3A_338 = tpu.memref_squeeze %dma_wait3A_337 : memref<1x128x128xf32, #tpu.memory_space<vmem>> -> memref<128x128xf32, #tpu.memory_space<vmem>>
        tpu.wait_dma2 semaphore(%dma_wait3A_332 : memref<!tpu.dma_semaphore, #tpu.memory_space<semaphore_mem>>) src(%dma_wait3A_338 : memref<128x128xf32, #tpu.memory_space<vmem>>) dst(%dma_wait3A_334 : memref<128x128xf32, #tpu.memory_space<hbm>>)
      } else {
      }
      %add3A_136 = arith.constant 2 : i32
      %add3A_137 = arith.addi %add3A_130, %add3A_136 : i32
      %mul3A_138 = arith.constant 128 : i32
      %mul3A_139 = arith.muli %add3A_137, %mul3A_138 : i32
      %dma_start3A_140 = arith.constant 3 : i32
      %dma_start3A_141 = arith.constant 3 : i32
      %dma_start3A_142 = arith.constant 0 : i32
      %dma_start3A_143 = arith.constant 0 : i32
      %dma_start3A_144 = tpu.memref_slice %arg6[%dma_start3A_140, %dma_start3A_142, %dma_start3A_143] : memref<4x128x64xf32, #tpu.memory_space<vmem>> -> memref<1x128x64xf32, #tpu.memory_space<vmem>>
      %dma_start3A_145 = tpu.memref_squeeze %dma_start3A_144 : memref<1x128x64xf32, #tpu.memory_space<vmem>> -> memref<128x64xf32, #tpu.memory_space<vmem>>
      %dma_start3A_146 = tpu.memref_slice %arg5[%mul3A_139] : memref<25600xi32, #tpu.memory_space<vmem>> -> memref<128xi32, #tpu.memory_space<vmem>>
      %dma_start3A_147 = arith.constant 0 : i32
      %dma_start3A_148 = arith.constant 0 : i32
      %dma_start3A_149 = tpu.memref_slice %arg3[%dma_start3A_147, %dma_start3A_148] : memref<1000000x64xf32, #tpu.memory_space<hbm>> -> memref<1000000x64xf32, #tpu.memory_space<hbm>>
      %dma_start3A_150 = tpu.memref_slice %arg8[%dma_start3A_141] : memref<4x!tpu.dma_semaphore, #tpu.memory_space<semaphore_mem>> -> memref<1x!tpu.dma_semaphore, #tpu.memory_space<semaphore_mem>>
      %dma_start3A_151 = tpu.memref_squeeze %dma_start3A_150 : memref<1x!tpu.dma_semaphore, #tpu.memory_space<semaphore_mem>> -> memref<!tpu.dma_semaphore, #tpu.memory_space<semaphore_mem>>
      tpu.enqueue_indirect_dma source(%dma_start3A_149 : memref<1000000x64xf32, #tpu.memory_space<hbm>>) target(%dma_start3A_145 : memref<128x64xf32, #tpu.memory_space<vmem>>) offsets(%dma_start3A_146 : memref<128xi32, #tpu.memory_space<vmem>>) semaphore(%dma_start3A_151 : memref<!tpu.dma_semaphore, #tpu.memory_space<semaphore_mem>>)
      %mul3A_152 = arith.constant 128 : i32
      %mul3A_153 = arith.muli %add3A_130, %mul3A_152 : i32
      %dma_wait3A_154 = arith.constant 1 : i32
      %dma_wait3A_155 = arith.constant 1 : i32
      %dma_wait3A_156 = arith.constant 0 : i32
      %dma_wait3A_157 = arith.constant 0 : i32
      %dma_wait3A_158 = tpu.memref_slice %arg6[%dma_wait3A_154, %dma_wait3A_156, %dma_wait3A_157] : memref<4x128x64xf32, #tpu.memory_space<vmem>> -> memref<1x128x64xf32, #tpu.memory_space<vmem>>
      %dma_wait3A_159 = tpu.memref_squeeze %dma_wait3A_158 : memref<1x128x64xf32, #tpu.memory_space<vmem>> -> memref<128x64xf32, #tpu.memory_space<vmem>>
      %dma_wait3A_160 = tpu.memref_slice %arg5[%mul3A_153] : memref<25600xi32, #tpu.memory_space<vmem>> -> memref<128xi32, #tpu.memory_space<vmem>>
      %dma_wait3A_161 = arith.constant 0 : i32
      %dma_wait3A_162 = arith.constant 0 : i32
      %dma_wait3A_163 = tpu.memref_slice %arg3[%dma_wait3A_161, %dma_wait3A_162] : memref<1000000x64xf32, #tpu.memory_space<hbm>> -> memref<1000000x64xf32, #tpu.memory_space<hbm>>
      %dma_wait3A_164 = tpu.memref_slice %arg8[%dma_wait3A_155] : memref<4x!tpu.dma_semaphore, #tpu.memory_space<semaphore_mem>> -> memref<1x!tpu.dma_semaphore, #tpu.memory_space<semaphore_mem>>
      %dma_wait3A_165 = tpu.memref_squeeze %dma_wait3A_164 : memref<1x!tpu.dma_semaphore, #tpu.memory_space<semaphore_mem>> -> memref<!tpu.dma_semaphore, #tpu.memory_space<semaphore_mem>>
      tpu.wait_indirect_dma semaphore(%dma_wait3A_165 : memref<!tpu.dma_semaphore, #tpu.memory_space<semaphore_mem>>) src(%dma_wait3A_163 : memref<1000000x64xf32, #tpu.memory_space<hbm>>) dst(%dma_wait3A_159 : memref<128x64xf32, #tpu.memory_space<vmem>>)
      %parallel_loop3A_166 = arith.constant 0 : i32
      %parallel_loop3A_167 = arith.constant 128 : i32
      %parallel_loop3A_168 = arith.constant 1 : i32
      scf.for %parallel_loop3A_318 = %parallel_loop3A_166 to %parallel_loop3A_167 step %parallel_loop3A_168  : i32 {
        %parallel_loop3A_319 = arith.constant 1 : i32
        %parallel_loop3A_320 = arith.index_cast %parallel_loop3A_319 : i32 to index
        %parallel_loop3A_321 = arith.index_cast %parallel_loop3A_318 : i32 to index
        %parallel_loop3A_322 = arith.constant 0 : index
        %parallel_loop3A_323 = tpu.vector_load %arg6[%parallel_loop3A_320, %parallel_loop3A_321, %parallel_loop3A_322] {strides = array<i32>} : memref<4x128x64xf32, #tpu.memory_space<vmem>>, vector<1x1x16xf32>,
        %parallel_loop3A_324 = vector.shape_cast %parallel_loop3A_323 : vector<1x1x16xf32> to vector<16xf32>
        %parallel_loop3A_325 = arith.constant 8.000000e+00 : f32
        %parallel_loop3A_326 = vector.broadcast %parallel_loop3A_325 : f32 to vector<16xf32>
        %parallel_loop3A_327 = arith.mulf %parallel_loop3A_324, %parallel_loop3A_326 : vector<16xf32>
        %parallel_loop3A_328 = arith.constant 1 : i32
        %parallel_loop3A_329 = arith.index_cast %parallel_loop3A_328 : i32 to index
        %parallel_loop3A_330 = arith.index_cast %parallel_loop3A_318 : i32 to index
        %parallel_loop3A_331 = arith.constant 0 : index
        %parallel_loop3A_332 = tpu.vector_load %arg7[%parallel_loop3A_329, %parallel_loop3A_330, %parallel_loop3A_331] {strides = array<i32>} : memref<4x128x128xf32, #tpu.memory_space<vmem>>, vector<1x1x16xf32>,
        %parallel_loop3A_333 = vector.shape_cast %parallel_loop3A_332 : vector<1x1x16xf32> to vector<16xf32>
        %parallel_loop3A_334 = vector.shape_cast %parallel_loop3A_327 : vector<16xf32> to vector<1x1x16xf32>
        tpu.vector_store %arg7[%parallel_loop3A_329, %parallel_loop3A_330, %parallel_loop3A_331], %parallel_loop3A_334 {strides = array<i32>} : memref<4x128x128xf32, #tpu.memory_space<vmem>>, vector<1x1x16xf32>,
        %parallel_loop3A_335 = arith.constant 1 : i32
        %parallel_loop3A_336 = arith.index_cast %parallel_loop3A_335 : i32 to index
        %parallel_loop3A_337 = arith.index_cast %parallel_loop3A_318 : i32 to index
        %parallel_loop3A_338 = arith.constant 16 : index
        %parallel_loop3A_339 = tpu.vector_load %arg6[%parallel_loop3A_336, %parallel_loop3A_337, %parallel_loop3A_338] {strides = array<i32>} : memref<4x128x64xf32, #tpu.memory_space<vmem>>, vector<1x1x16xf32>,
        %parallel_loop3A_340 = vector.shape_cast %parallel_loop3A_339 : vector<1x1x16xf32> to vector<16xf32>
        %parallel_loop3A_341 = arith.constant 8.000000e+00 : f32
        %parallel_loop3A_342 = vector.broadcast %parallel_loop3A_341 : f32 to vector<16xf32>
        %parallel_loop3A_343 = arith.mulf %parallel_loop3A_340, %parallel_loop3A_342 : vector<16xf32>
        %parallel_loop3A_344 = arith.constant 1 : i32
        %parallel_loop3A_345 = arith.index_cast %parallel_loop3A_344 : i32 to index
        %parallel_loop3A_346 = arith.index_cast %parallel_loop3A_318 : i32 to index
        %parallel_loop3A_347 = arith.constant 16 : index
        %parallel_loop3A_348 = tpu.vector_load %arg7[%parallel_loop3A_345, %parallel_loop3A_346, %parallel_loop3A_347] {strides = array<i32>} : memref<4x128x128xf32, #tpu.memory_space<vmem>>, vector<1x1x16xf32>,
        %parallel_loop3A_349 = vector.shape_cast %parallel_loop3A_348 : vector<1x1x16xf32> to vector<16xf32>
        %parallel_loop3A_350 = vector.shape_cast %parallel_loop3A_343 : vector<16xf32> to vector<1x1x16xf32>
        tpu.vector_store %arg7[%parallel_loop3A_345, %parallel_loop3A_346, %parallel_loop3A_347], %parallel_loop3A_350 {strides = array<i32>} : memref<4x128x128xf32, #tpu.memory_space<vmem>>, vector<1x1x16xf32>,
        %parallel_loop3A_351 = arith.constant 1 : i32
        %parallel_loop3A_352 = arith.index_cast %parallel_loop3A_351 : i32 to index
        %parallel_loop3A_353 = arith.index_cast %parallel_loop3A_318 : i32 to index
        %parallel_loop3A_354 = arith.constant 32 : index
        %parallel_loop3A_355 = tpu.vector_load %arg6[%parallel_loop3A_352, %parallel_loop3A_353, %parallel_loop3A_354] {strides = array<i32>} : memref<4x128x64xf32, #tpu.memory_space<vmem>>, vector<1x1x16xf32>,
        %parallel_loop3A_356 = vector.shape_cast %parallel_loop3A_355 : vector<1x1x16xf32> to vector<16xf32>
        %parallel_loop3A_357 = arith.constant 8.000000e+00 : f32
        %parallel_loop3A_358 = vector.broadcast %parallel_loop3A_357 : f32 to vector<16xf32>
        %parallel_loop3A_359 = arith.mulf %parallel_loop3A_356, %parallel_loop3A_358 : vector<16xf32>
        %parallel_loop3A_360 = arith.constant 1 : i32
        %parallel_loop3A_361 = arith.index_cast %parallel_loop3A_360 : i32 to index
        %parallel_loop3A_362 = arith.index_cast %parallel_loop3A_318 : i32 to index
        %parallel_loop3A_363 = arith.constant 32 : index
        %parallel_loop3A_364 = tpu.vector_load %arg7[%parallel_loop3A_361, %parallel_loop3A_362, %parallel_loop3A_363] {strides = array<i32>} : memref<4x128x128xf32, #tpu.memory_space<vmem>>, vector<1x1x16xf32>,
        %parallel_loop3A_365 = vector.shape_cast %parallel_loop3A_364 : vector<1x1x16xf32> to vector<16xf32>
        %parallel_loop3A_366 = vector.shape_cast %parallel_loop3A_359 : vector<16xf32> to vector<1x1x16xf32>
        tpu.vector_store %arg7[%parallel_loop3A_361, %parallel_loop3A_362, %parallel_loop3A_363], %parallel_loop3A_366 {strides = array<i32>} : memref<4x128x128xf32, #tpu.memory_space<vmem>>, vector<1x1x16xf32>,
        %parallel_loop3A_367 = arith.constant 1 : i32
        %parallel_loop3A_368 = arith.index_cast %parallel_loop3A_367 : i32 to index
        %parallel_loop3A_369 = arith.index_cast %parallel_loop3A_318 : i32 to index
        %parallel_loop3A_370 = arith.constant 48 : index
        %parallel_loop3A_371 = tpu.vector_load %arg6[%parallel_loop3A_368, %parallel_loop3A_369, %parallel_loop3A_370] {strides = array<i32>} : memref<4x128x64xf32, #tpu.memory_space<vmem>>, vector<1x1x16xf32>,
        %parallel_loop3A_372 = vector.shape_cast %parallel_loop3A_371 : vector<1x1x16xf32> to vector<16xf32>
        %parallel_loop3A_373 = arith.constant 8.000000e+00 : f32
        %parallel_loop3A_374 = vector.broadcast %parallel_loop3A_373 : f32 to vector<16xf32>
        %parallel_loop3A_375 = arith.mulf %parallel_loop3A_372, %parallel_loop3A_374 : vector<16xf32>
        %parallel_loop3A_376 = arith.constant 1 : i32
        %parallel_loop3A_377 = arith.index_cast %parallel_loop3A_376 : i32 to index
        %parallel_loop3A_378 = arith.index_cast %parallel_loop3A_318 : i32 to index
        %parallel_loop3A_379 = arith.constant 48 : index
        %parallel_loop3A_380 = tpu.vector_load %arg7[%parallel_loop3A_377, %parallel_loop3A_378, %parallel_loop3A_379] {strides = array<i32>} : memref<4x128x128xf32, #tpu.memory_space<vmem>>, vector<1x1x16xf32>,
        %parallel_loop3A_381 = vector.shape_cast %parallel_loop3A_380 : vector<1x1x16xf32> to vector<16xf32>
        %parallel_loop3A_382 = vector.shape_cast %parallel_loop3A_375 : vector<16xf32> to vector<1x1x16xf32>
        tpu.vector_store %arg7[%parallel_loop3A_377, %parallel_loop3A_378, %parallel_loop3A_379], %parallel_loop3A_382 {strides = array<i32>} : memref<4x128x128xf32, #tpu.memory_space<vmem>>, vector<1x1x16xf32>,
      } {sc.loop_unroll_factor = 4 : i64, sc.parallel_access}
      %mul3A_169 = arith.constant 128 : i32
      %mul3A_170 = arith.muli %add3A_130, %mul3A_169 : i32
      %add3A_171 = arith.addi %mul3A_2, %mul3A_170 : i32
      %dma_start3A_172 = arith.constant 1 : i32
      %dma_start3A_173 = arith.constant 1 : i32
      %dma_start3A_174 = arith.constant 0 : i32
      %dma_start3A_175 = arith.constant 0 : i32
      %dma_start3A_176 = tpu.memref_slice %arg7[%dma_start3A_172, %dma_start3A_174, %dma_start3A_175] : memref<4x128x128xf32, #tpu.memory_space<vmem>> -> memref<1x128x128xf32, #tpu.memory_space<vmem>>
      %dma_start3A_177 = tpu.memref_squeeze %dma_start3A_176 : memref<1x128x128xf32, #tpu.memory_space<vmem>> -> memref<128x128xf32, #tpu.memory_space<vmem>>
      %dma_start3A_178 = arith.constant 0 : i32
      %dma_start3A_179 = tpu.memref_slice %arg4[%add3A_171, %dma_start3A_178] : memref<819200x128xf32, #tpu.memory_space<hbm>> -> memref<128x128xf32, #tpu.memory_space<hbm>>
      %dma_start3A_180 = tpu.memref_slice %arg9[%dma_start3A_173] : memref<4x!tpu.dma_semaphore, #tpu.memory_space<semaphore_mem>> -> memref<1x!tpu.dma_semaphore, #tpu.memory_space<semaphore_mem>>
      %dma_start3A_181 = tpu.memref_squeeze %dma_start3A_180 : memref<1x!tpu.dma_semaphore, #tpu.memory_space<semaphore_mem>> -> memref<!tpu.dma_semaphore, #tpu.memory_space<semaphore_mem>>
      %dma_start3A_182 = arith.constant 0 : i32
      %dma_start3A_183 = tpu.memref_slice %arg4[%add3A_171, %dma_start3A_182] : memref<819200x128xf32, #tpu.memory_space<hbm>> -> memref<128x128xf32, #tpu.memory_space<hbm>>
      %dma_start3A_184 = arith.constant 0 : i32
      %dma_start3A_185 = arith.constant 0 : i32
      %dma_start3A_186 = tpu.memref_slice %arg7[%dma_start3A_172, %dma_start3A_184, %dma_start3A_185] : memref<4x128x128xf32, #tpu.memory_space<vmem>> -> memref<1x128x128xf32, #tpu.memory_space<vmem>>
      %dma_start3A_187 = tpu.memref_squeeze %dma_start3A_186 : memref<1x128x128xf32, #tpu.memory_space<vmem>> -> memref<128x128xf32, #tpu.memory_space<vmem>>
      tpu.enqueue_dma source(%dma_start3A_187 : memref<128x128xf32, #tpu.memory_space<vmem>>) target(%dma_start3A_183 : memref<128x128xf32, #tpu.memory_space<hbm>>) target_semaphore(%dma_start3A_181 : memref<!tpu.dma_semaphore, #tpu.memory_space<semaphore_mem>>)
      %add3A_188 = arith.constant 2 : i32
      %add3A_189 = arith.addi %mul3A_73, %add3A_188 : i32
      %sub3A = arith.constant 2 : i32
      %sub3A_190 = arith.subi %add3A_189, %sub3A : i32
      %mul3A_191 = arith.constant 128 : i32
      %mul3A_192 = arith.muli %sub3A_190, %mul3A_191 : i32
      %add3A_193 = arith.addi %mul3A_2, %mul3A_192 : i32
      %dma_wait3A_194 = arith.constant 0 : i32
      %dma_wait3A_195 = arith.constant 0 : i32
      %dma_wait3A_196 = arith.constant 0 : i32
      %dma_wait3A_197 = arith.constant 0 : i32
      %dma_wait3A_198 = tpu.memref_slice %arg7[%dma_wait3A_194, %dma_wait3A_196, %dma_wait3A_197] : memref<4x128x128xf32, #tpu.memory_space<vmem>> -> memref<1x128x128xf32, #tpu.memory_space<vmem>>
      %dma_wait3A_199 = tpu.memref_squeeze %dma_wait3A_198 : memref<1x128x128xf32, #tpu.memory_space<vmem>> -> memref<128x128xf32, #tpu.memory_space<vmem>>
      %dma_wait3A_200 = arith.constant 0 : i32
      %dma_wait3A_201 = tpu.memref_slice %arg4[%add3A_193, %dma_wait3A_200] : memref<819200x128xf32, #tpu.memory_space<hbm>> -> memref<128x128xf32, #tpu.memory_space<hbm>>
      %dma_wait3A_202 = tpu.memref_slice %arg9[%dma_wait3A_195] : memref<4x!tpu.dma_semaphore, #tpu.memory_space<semaphore_mem>> -> memref<1x!tpu.dma_semaphore, #tpu.memory_space<semaphore_mem>>
      %dma_wait3A_203 = tpu.memref_squeeze %dma_wait3A_202 : memref<1x!tpu.dma_semaphore, #tpu.memory_space<semaphore_mem>> -> memref<!tpu.dma_semaphore, #tpu.memory_space<semaphore_mem>>
      %dma_wait3A_204 = arith.constant 0 : i32
      %dma_wait3A_205 = tpu.memref_slice %arg4[%add3A_193, %dma_wait3A_204] : memref<819200x128xf32, #tpu.memory_space<hbm>> -> memref<128x128xf32, #tpu.memory_space<hbm>>
      %dma_wait3A_206 = arith.constant 0 : i32
      %dma_wait3A_207 = arith.constant 0 : i32
      %dma_wait3A_208 = tpu.memref_slice %arg7[%dma_wait3A_194, %dma_wait3A_206, %dma_wait3A_207] : memref<4x128x128xf32, #tpu.memory_space<vmem>> -> memref<1x128x128xf32, #tpu.memory_space<vmem>>
      %dma_wait3A_209 = tpu.memref_squeeze %dma_wait3A_208 : memref<1x128x128xf32, #tpu.memory_space<vmem>> -> memref<128x128xf32, #tpu.memory_space<vmem>>
      tpu.wait_dma2 semaphore(%dma_wait3A_203 : memref<!tpu.dma_semaphore, #tpu.memory_space<semaphore_mem>>) src(%dma_wait3A_209 : memref<128x128xf32, #tpu.memory_space<vmem>>) dst(%dma_wait3A_205 : memref<128x128xf32, #tpu.memory_space<hbm>>)
      %add3A_210 = arith.constant 2 : i32
      %add3A_211 = arith.addi %add3A_189, %add3A_210 : i32
      %lt3A = arith.constant 200 : i32
      %lt3A_212 = arith.cmpi slt, %add3A_211, %lt3A : i32
      %convert_element_type3A_213 = arith.extui %lt3A_212 : i1 to i32
      %cond3A_214 = arith.constant 0 : i32
      %cond3A_215 = arith.cmpi ne, %convert_element_type3A_213, %cond3A_214 : i32
      scf.if %cond3A_215 {
        %add3A_318 = arith.constant 2 : i32
        %add3A_319 = arith.addi %add3A_189, %add3A_318 : i32
        %mul3A_320 = arith.constant 128 : i32
        %mul3A_321 = arith.muli %add3A_319, %mul3A_320 : i32
        %dma_start3A_322 = arith.constant 0 : i32
        %dma_start3A_323 = arith.constant 0 : i32
        %dma_start3A_324 = arith.constant 0 : i32
        %dma_start3A_325 = arith.constant 0 : i32
        %dma_start3A_326 = tpu.memref_slice %arg6[%dma_start3A_322, %dma_start3A_324, %dma_start3A_325] : memref<4x128x64xf32, #tpu.memory_space<vmem>> -> memref<1x128x64xf32, #tpu.memory_space<vmem>>
        %dma_start3A_327 = tpu.memref_squeeze %dma_start3A_326 : memref<1x128x64xf32, #tpu.memory_space<vmem>> -> memref<128x64xf32, #tpu.memory_space<vmem>>
        %dma_start3A_328 = tpu.memref_slice %arg5[%mul3A_321] : memref<25600xi32, #tpu.memory_space<vmem>> -> memref<128xi32, #tpu.memory_space<vmem>>
        %dma_start3A_329 = arith.constant 0 : i32
        %dma_start3A_330 = arith.constant 0 : i32
        %dma_start3A_331 = tpu.memref_slice %arg3[%dma_start3A_329, %dma_start3A_330] : memref<1000000x64xf32, #tpu.memory_space<hbm>> -> memref<1000000x64xf32, #tpu.memory_space<hbm>>
        %dma_start3A_332 = tpu.memref_slice %arg8[%dma_start3A_323] : memref<4x!tpu.dma_semaphore, #tpu.memory_space<semaphore_mem>> -> memref<1x!tpu.dma_semaphore, #tpu.memory_space<semaphore_mem>>
        %dma_start3A_333 = tpu.memref_squeeze %dma_start3A_332 : memref<1x!tpu.dma_semaphore, #tpu.memory_space<semaphore_mem>> -> memref<!tpu.dma_semaphore, #tpu.memory_space<semaphore_mem>>
        tpu.enqueue_indirect_dma source(%dma_start3A_331 : memref<1000000x64xf32, #tpu.memory_space<hbm>>) target(%dma_start3A_327 : memref<128x64xf32, #tpu.memory_space<vmem>>) offsets(%dma_start3A_328 : memref<128xi32, #tpu.memory_space<vmem>>) semaphore(%dma_start3A_333 : memref<!tpu.dma_semaphore, #tpu.memory_space<semaphore_mem>>)
      } else {
      }
      %mul3A_216 = arith.constant 128 : i32
      %mul3A_217 = arith.muli %add3A_189, %mul3A_216 : i32
      %dma_wait3A_218 = arith.constant 2 : i32
      %dma_wait3A_219 = arith.constant 2 : i32
      %dma_wait3A_220 = arith.constant 0 : i32
      %dma_wait3A_221 = arith.constant 0 : i32
      %dma_wait3A_222 = tpu.memref_slice %arg6[%dma_wait3A_218, %dma_wait3A_220, %dma_wait3A_221] : memref<4x128x64xf32, #tpu.memory_space<vmem>> -> memref<1x128x64xf32, #tpu.memory_space<vmem>>
      %dma_wait3A_223 = tpu.memref_squeeze %dma_wait3A_222 : memref<1x128x64xf32, #tpu.memory_space<vmem>> -> memref<128x64xf32, #tpu.memory_space<vmem>>
      %dma_wait3A_224 = tpu.memref_slice %arg5[%mul3A_217] : memref<25600xi32, #tpu.memory_space<vmem>> -> memref<128xi32, #tpu.memory_space<vmem>>
      %dma_wait3A_225 = arith.constant 0 : i32
      %dma_wait3A_226 = arith.constant 0 : i32
      %dma_wait3A_227 = tpu.memref_slice %arg3[%dma_wait3A_225, %dma_wait3A_226] : memref<1000000x64xf32, #tpu.memory_space<hbm>> -> memref<1000000x64xf32, #tpu.memory_space<hbm>>
      %dma_wait3A_228 = tpu.memref_slice %arg8[%dma_wait3A_219] : memref<4x!tpu.dma_semaphore, #tpu.memory_space<semaphore_mem>> -> memref<1x!tpu.dma_semaphore, #tpu.memory_space<semaphore_mem>>
      %dma_wait3A_229 = tpu.memref_squeeze %dma_wait3A_228 : memref<1x!tpu.dma_semaphore, #tpu.memory_space<semaphore_mem>> -> memref<!tpu.dma_semaphore, #tpu.memory_space<semaphore_mem>>
      tpu.wait_indirect_dma semaphore(%dma_wait3A_229 : memref<!tpu.dma_semaphore, #tpu.memory_space<semaphore_mem>>) src(%dma_wait3A_227 : memref<1000000x64xf32, #tpu.memory_space<hbm>>) dst(%dma_wait3A_223 : memref<128x64xf32, #tpu.memory_space<vmem>>)
      %parallel_loop3A_230 = arith.constant 0 : i32
      %parallel_loop3A_231 = arith.constant 128 : i32
      %parallel_loop3A_232 = arith.constant 1 : i32
      scf.for %parallel_loop3A_318 = %parallel_loop3A_230 to %parallel_loop3A_231 step %parallel_loop3A_232  : i32 {
        %parallel_loop3A_319 = arith.constant 2 : i32
        %parallel_loop3A_320 = arith.index_cast %parallel_loop3A_319 : i32 to index
        %parallel_loop3A_321 = arith.index_cast %parallel_loop3A_318 : i32 to index
        %parallel_loop3A_322 = arith.constant 0 : index
        %parallel_loop3A_323 = tpu.vector_load %arg6[%parallel_loop3A_320, %parallel_loop3A_321, %parallel_loop3A_322] {strides = array<i32>} : memref<4x128x64xf32, #tpu.memory_space<vmem>>, vector<1x1x16xf32>,
        %parallel_loop3A_324 = vector.shape_cast %parallel_loop3A_323 : vector<1x1x16xf32> to vector<16xf32>
        %parallel_loop3A_325 = arith.constant 8.000000e+00 : f32
        %parallel_loop3A_326 = vector.broadcast %parallel_loop3A_325 : f32 to vector<16xf32>
        %parallel_loop3A_327 = arith.mulf %parallel_loop3A_324, %parallel_loop3A_326 : vector<16xf32>
        %parallel_loop3A_328 = arith.constant 2 : i32
        %parallel_loop3A_329 = arith.index_cast %parallel_loop3A_328 : i32 to index
        %parallel_loop3A_330 = arith.index_cast %parallel_loop3A_318 : i32 to index
        %parallel_loop3A_331 = arith.constant 0 : index
        %parallel_loop3A_332 = tpu.vector_load %arg7[%parallel_loop3A_329, %parallel_loop3A_330, %parallel_loop3A_331] {strides = array<i32>} : memref<4x128x128xf32, #tpu.memory_space<vmem>>, vector<1x1x16xf32>,
        %parallel_loop3A_333 = vector.shape_cast %parallel_loop3A_332 : vector<1x1x16xf32> to vector<16xf32>
        %parallel_loop3A_334 = vector.shape_cast %parallel_loop3A_327 : vector<16xf32> to vector<1x1x16xf32>
        tpu.vector_store %arg7[%parallel_loop3A_329, %parallel_loop3A_330, %parallel_loop3A_331], %parallel_loop3A_334 {strides = array<i32>} : memref<4x128x128xf32, #tpu.memory_space<vmem>>, vector<1x1x16xf32>,
        %parallel_loop3A_335 = arith.constant 2 : i32
        %parallel_loop3A_336 = arith.index_cast %parallel_loop3A_335 : i32 to index
        %parallel_loop3A_337 = arith.index_cast %parallel_loop3A_318 : i32 to index
        %parallel_loop3A_338 = arith.constant 16 : index
        %parallel_loop3A_339 = tpu.vector_load %arg6[%parallel_loop3A_336, %parallel_loop3A_337, %parallel_loop3A_338] {strides = array<i32>} : memref<4x128x64xf32, #tpu.memory_space<vmem>>, vector<1x1x16xf32>,
        %parallel_loop3A_340 = vector.shape_cast %parallel_loop3A_339 : vector<1x1x16xf32> to vector<16xf32>
        %parallel_loop3A_341 = arith.constant 8.000000e+00 : f32
        %parallel_loop3A_342 = vector.broadcast %parallel_loop3A_341 : f32 to vector<16xf32>
        %parallel_loop3A_343 = arith.mulf %parallel_loop3A_340, %parallel_loop3A_342 : vector<16xf32>
        %parallel_loop3A_344 = arith.constant 2 : i32
        %parallel_loop3A_345 = arith.index_cast %parallel_loop3A_344 : i32 to index
        %parallel_loop3A_346 = arith.index_cast %parallel_loop3A_318 : i32 to index
        %parallel_loop3A_347 = arith.constant 16 : index
        %parallel_loop3A_348 = tpu.vector_load %arg7[%parallel_loop3A_345, %parallel_loop3A_346, %parallel_loop3A_347] {strides = array<i32>} : memref<4x128x128xf32, #tpu.memory_space<vmem>>, vector<1x1x16xf32>,
        %parallel_loop3A_349 = vector.shape_cast %parallel_loop3A_348 : vector<1x1x16xf32> to vector<16xf32>
        %parallel_loop3A_350 = vector.shape_cast %parallel_loop3A_343 : vector<16xf32> to vector<1x1x16xf32>
        tpu.vector_store %arg7[%parallel_loop3A_345, %parallel_loop3A_346, %parallel_loop3A_347], %parallel_loop3A_350 {strides = array<i32>} : memref<4x128x128xf32, #tpu.memory_space<vmem>>, vector<1x1x16xf32>,
        %parallel_loop3A_351 = arith.constant 2 : i32
        %parallel_loop3A_352 = arith.index_cast %parallel_loop3A_351 : i32 to index
        %parallel_loop3A_353 = arith.index_cast %parallel_loop3A_318 : i32 to index
        %parallel_loop3A_354 = arith.constant 32 : index
        %parallel_loop3A_355 = tpu.vector_load %arg6[%parallel_loop3A_352, %parallel_loop3A_353, %parallel_loop3A_354] {strides = array<i32>} : memref<4x128x64xf32, #tpu.memory_space<vmem>>, vector<1x1x16xf32>,
        %parallel_loop3A_356 = vector.shape_cast %parallel_loop3A_355 : vector<1x1x16xf32> to vector<16xf32>
        %parallel_loop3A_357 = arith.constant 8.000000e+00 : f32
        %parallel_loop3A_358 = vector.broadcast %parallel_loop3A_357 : f32 to vector<16xf32>
        %parallel_loop3A_359 = arith.mulf %parallel_loop3A_356, %parallel_loop3A_358 : vector<16xf32>
        %parallel_loop3A_360 = arith.constant 2 : i32
        %parallel_loop3A_361 = arith.index_cast %parallel_loop3A_360 : i32 to index
        %parallel_loop3A_362 = arith.index_cast %parallel_loop3A_318 : i32 to index
        %parallel_loop3A_363 = arith.constant 32 : index
        %parallel_loop3A_364 = tpu.vector_load %arg7[%parallel_loop3A_361, %parallel_loop3A_362, %parallel_loop3A_363] {strides = array<i32>} : memref<4x128x128xf32, #tpu.memory_space<vmem>>, vector<1x1x16xf32>,
        %parallel_loop3A_365 = vector.shape_cast %parallel_loop3A_364 : vector<1x1x16xf32> to vector<16xf32>
        %parallel_loop3A_366 = vector.shape_cast %parallel_loop3A_359 : vector<16xf32> to vector<1x1x16xf32>
        tpu.vector_store %arg7[%parallel_loop3A_361, %parallel_loop3A_362, %parallel_loop3A_363], %parallel_loop3A_366 {strides = array<i32>} : memref<4x128x128xf32, #tpu.memory_space<vmem>>, vector<1x1x16xf32>,
        %parallel_loop3A_367 = arith.constant 2 : i32
        %parallel_loop3A_368 = arith.index_cast %parallel_loop3A_367 : i32 to index
        %parallel_loop3A_369 = arith.index_cast %parallel_loop3A_318 : i32 to index
        %parallel_loop3A_370 = arith.constant 48 : index
        %parallel_loop3A_371 = tpu.vector_load %arg6[%parallel_loop3A_368, %parallel_loop3A_369, %parallel_loop3A_370] {strides = array<i32>} : memref<4x128x64xf32, #tpu.memory_space<vmem>>, vector<1x1x16xf32>,
        %parallel_loop3A_372 = vector.shape_cast %parallel_loop3A_371 : vector<1x1x16xf32> to vector<16xf32>
        %parallel_loop3A_373 = arith.constant 8.000000e+00 : f32
        %parallel_loop3A_374 = vector.broadcast %parallel_loop3A_373 : f32 to vector<16xf32>
        %parallel_loop3A_375 = arith.mulf %parallel_loop3A_372, %parallel_loop3A_374 : vector<16xf32>
        %parallel_loop3A_376 = arith.constant 2 : i32
        %parallel_loop3A_377 = arith.index_cast %parallel_loop3A_376 : i32 to index
        %parallel_loop3A_378 = arith.index_cast %parallel_loop3A_318 : i32 to index
        %parallel_loop3A_379 = arith.constant 48 : index
        %parallel_loop3A_380 = tpu.vector_load %arg7[%parallel_loop3A_377, %parallel_loop3A_378, %parallel_loop3A_379] {strides = array<i32>} : memref<4x128x128xf32, #tpu.memory_space<vmem>>, vector<1x1x16xf32>,
        %parallel_loop3A_381 = vector.shape_cast %parallel_loop3A_380 : vector<1x1x16xf32> to vector<16xf32>
        %parallel_loop3A_382 = vector.shape_cast %parallel_loop3A_375 : vector<16xf32> to vector<1x1x16xf32>
        tpu.vector_store %arg7[%parallel_loop3A_377, %parallel_loop3A_378, %parallel_loop3A_379], %parallel_loop3A_382 {strides = array<i32>} : memref<4x128x128xf32, #tpu.memory_space<vmem>>, vector<1x1x16xf32>,
      } {sc.loop_unroll_factor = 4 : i64, sc.parallel_access}
      %mul3A_233 = arith.constant 128 : i32
      %mul3A_234 = arith.muli %add3A_189, %mul3A_233 : i32
      %add3A_235 = arith.addi %mul3A_2, %mul3A_234 : i32
      %dma_start3A_236 = arith.constant 2 : i32
      %dma_start3A_237 = arith.constant 2 : i32
      %dma_start3A_238 = arith.constant 0 : i32
      %dma_start3A_239 = arith.constant 0 : i32
      %dma_start3A_240 = tpu.memref_slice %arg7[%dma_start3A_236, %dma_start3A_238, %dma_start3A_239] : memref<4x128x128xf32, #tpu.memory_space<vmem>> -> memref<1x128x128xf32, #tpu.memory_space<vmem>>
      %dma_start3A_241 = tpu.memref_squeeze %dma_start3A_240 : memref<1x128x128xf32, #tpu.memory_space<vmem>> -> memref<128x128xf32, #tpu.memory_space<vmem>>
      %dma_start3A_242 = arith.constant 0 : i32
      %dma_start3A_243 = tpu.memref_slice %arg4[%add3A_235, %dma_start3A_242] : memref<819200x128xf32, #tpu.memory_space<hbm>> -> memref<128x128xf32, #tpu.memory_space<hbm>>
      %dma_start3A_244 = tpu.memref_slice %arg9[%dma_start3A_237] : memref<4x!tpu.dma_semaphore, #tpu.memory_space<semaphore_mem>> -> memref<1x!tpu.dma_semaphore, #tpu.memory_space<semaphore_mem>>
      %dma_start3A_245 = tpu.memref_squeeze %dma_start3A_244 : memref<1x!tpu.dma_semaphore, #tpu.memory_space<semaphore_mem>> -> memref<!tpu.dma_semaphore, #tpu.memory_space<semaphore_mem>>
      %dma_start3A_246 = arith.constant 0 : i32
      %dma_start3A_247 = tpu.memref_slice %arg4[%add3A_235, %dma_start3A_246] : memref<819200x128xf32, #tpu.memory_space<hbm>> -> memref<128x128xf32, #tpu.memory_space<hbm>>
      %dma_start3A_248 = arith.constant 0 : i32
      %dma_start3A_249 = arith.constant 0 : i32
      %dma_start3A_250 = tpu.memref_slice %arg7[%dma_start3A_236, %dma_start3A_248, %dma_start3A_249] : memref<4x128x128xf32, #tpu.memory_space<vmem>> -> memref<1x128x128xf32, #tpu.memory_space<vmem>>
      %dma_start3A_251 = tpu.memref_squeeze %dma_start3A_250 : memref<1x128x128xf32, #tpu.memory_space<vmem>> -> memref<128x128xf32, #tpu.memory_space<vmem>>
      tpu.enqueue_dma source(%dma_start3A_251 : memref<128x128xf32, #tpu.memory_space<vmem>>) target(%dma_start3A_247 : memref<128x128xf32, #tpu.memory_space<hbm>>) target_semaphore(%dma_start3A_245 : memref<!tpu.dma_semaphore, #tpu.memory_space<semaphore_mem>>)
      %add3A_252 = arith.constant 3 : i32
      %add3A_253 = arith.addi %mul3A_73, %add3A_252 : i32
      %sub3A_254 = arith.constant 2 : i32
      %sub3A_255 = arith.subi %add3A_253, %sub3A_254 : i32
      %mul3A_256 = arith.constant 128 : i32
      %mul3A_257 = arith.muli %sub3A_255, %mul3A_256 : i32
      %add3A_258 = arith.addi %mul3A_2, %mul3A_257 : i32
      %dma_wait3A_259 = arith.constant 1 : i32
      %dma_wait3A_260 = arith.constant 1 : i32
      %dma_wait3A_261 = arith.constant 0 : i32
      %dma_wait3A_262 = arith.constant 0 : i32
      %dma_wait3A_263 = tpu.memref_slice %arg7[%dma_wait3A_259, %dma_wait3A_261, %dma_wait3A_262] : memref<4x128x128xf32, #tpu.memory_space<vmem>> -> memref<1x128x128xf32, #tpu.memory_space<vmem>>
      %dma_wait3A_264 = tpu.memref_squeeze %dma_wait3A_263 : memref<1x128x128xf32, #tpu.memory_space<vmem>> -> memref<128x128xf32, #tpu.memory_space<vmem>>
      %dma_wait3A_265 = arith.constant 0 : i32
      %dma_wait3A_266 = tpu.memref_slice %arg4[%add3A_258, %dma_wait3A_265] : memref<819200x128xf32, #tpu.memory_space<hbm>> -> memref<128x128xf32, #tpu.memory_space<hbm>>
      %dma_wait3A_267 = tpu.memref_slice %arg9[%dma_wait3A_260] : memref<4x!tpu.dma_semaphore, #tpu.memory_space<semaphore_mem>> -> memref<1x!tpu.dma_semaphore, #tpu.memory_space<semaphore_mem>>
      %dma_wait3A_268 = tpu.memref_squeeze %dma_wait3A_267 : memref<1x!tpu.dma_semaphore, #tpu.memory_space<semaphore_mem>> -> memref<!tpu.dma_semaphore, #tpu.memory_space<semaphore_mem>>
      %dma_wait3A_269 = arith.constant 0 : i32
      %dma_wait3A_270 = tpu.memref_slice %arg4[%add3A_258, %dma_wait3A_269] : memref<819200x128xf32, #tpu.memory_space<hbm>> -> memref<128x128xf32, #tpu.memory_space<hbm>>
      %dma_wait3A_271 = arith.constant 0 : i32
      %dma_wait3A_272 = arith.constant 0 : i32
      %dma_wait3A_273 = tpu.memref_slice %arg7[%dma_wait3A_259, %dma_wait3A_271, %dma_wait3A_272] : memref<4x128x128xf32, #tpu.memory_space<vmem>> -> memref<1x128x128xf32, #tpu.memory_space<vmem>>
      %dma_wait3A_274 = tpu.memref_squeeze %dma_wait3A_273 : memref<1x128x128xf32, #tpu.memory_space<vmem>> -> memref<128x128xf32, #tpu.memory_space<vmem>>
      tpu.wait_dma2 semaphore(%dma_wait3A_268 : memref<!tpu.dma_semaphore, #tpu.memory_space<semaphore_mem>>) src(%dma_wait3A_274 : memref<128x128xf32, #tpu.memory_space<vmem>>) dst(%dma_wait3A_270 : memref<128x128xf32, #tpu.memory_space<hbm>>)
      %add3A_275 = arith.constant 2 : i32
      %add3A_276 = arith.addi %add3A_253, %add3A_275 : i32
      %lt3A_277 = arith.constant 200 : i32
      %lt3A_278 = arith.cmpi slt, %add3A_276, %lt3A_277 : i32
      %convert_element_type3A_279 = arith.extui %lt3A_278 : i1 to i32
      %cond3A_280 = arith.constant 0 : i32
      %cond3A_281 = arith.cmpi ne, %convert_element_type3A_279, %cond3A_280 : i32
      scf.if %cond3A_281 {
        %add3A_318 = arith.constant 2 : i32
        %add3A_319 = arith.addi %add3A_253, %add3A_318 : i32
        %mul3A_320 = arith.constant 128 : i32
        %mul3A_321 = arith.muli %add3A_319, %mul3A_320 : i32
        %dma_start3A_322 = arith.constant 1 : i32
        %dma_start3A_323 = arith.constant 1 : i32
        %dma_start3A_324 = arith.constant 0 : i32
        %dma_start3A_325 = arith.constant 0 : i32
        %dma_start3A_326 = tpu.memref_slice %arg6[%dma_start3A_322, %dma_start3A_324, %dma_start3A_325] : memref<4x128x64xf32, #tpu.memory_space<vmem>> -> memref<1x128x64xf32, #tpu.memory_space<vmem>>
        %dma_start3A_327 = tpu.memref_squeeze %dma_start3A_326 : memref<1x128x64xf32, #tpu.memory_space<vmem>> -> memref<128x64xf32, #tpu.memory_space<vmem>>
        %dma_start3A_328 = tpu.memref_slice %arg5[%mul3A_321] : memref<25600xi32, #tpu.memory_space<vmem>> -> memref<128xi32, #tpu.memory_space<vmem>>
        %dma_start3A_329 = arith.constant 0 : i32
        %dma_start3A_330 = arith.constant 0 : i32
        %dma_start3A_331 = tpu.memref_slice %arg3[%dma_start3A_329, %dma_start3A_330] : memref<1000000x64xf32, #tpu.memory_space<hbm>> -> memref<1000000x64xf32, #tpu.memory_space<hbm>>
        %dma_start3A_332 = tpu.memref_slice %arg8[%dma_start3A_323] : memref<4x!tpu.dma_semaphore, #tpu.memory_space<semaphore_mem>> -> memref<1x!tpu.dma_semaphore, #tpu.memory_space<semaphore_mem>>
        %dma_start3A_333 = tpu.memref_squeeze %dma_start3A_332 : memref<1x!tpu.dma_semaphore, #tpu.memory_space<semaphore_mem>> -> memref<!tpu.dma_semaphore, #tpu.memory_space<semaphore_mem>>
        tpu.enqueue_indirect_dma source(%dma_start3A_331 : memref<1000000x64xf32, #tpu.memory_space<hbm>>) target(%dma_start3A_327 : memref<128x64xf32, #tpu.memory_space<vmem>>) offsets(%dma_start3A_328 : memref<128xi32, #tpu.memory_space<vmem>>) semaphore(%dma_start3A_333 : memref<!tpu.dma_semaphore, #tpu.memory_space<semaphore_mem>>)
      } else {
      }
      %mul3A_282 = arith.constant 128 : i32
      %mul3A_283 = arith.muli %add3A_253, %mul3A_282 : i32
      %dma_wait3A_284 = arith.constant 3 : i32
      %dma_wait3A_285 = arith.constant 3 : i32
      %dma_wait3A_286 = arith.constant 0 : i32
      %dma_wait3A_287 = arith.constant 0 : i32
      %dma_wait3A_288 = tpu.memref_slice %arg6[%dma_wait3A_284, %dma_wait3A_286, %dma_wait3A_287] : memref<4x128x64xf32, #tpu.memory_space<vmem>> -> memref<1x128x64xf32, #tpu.memory_space<vmem>>
      %dma_wait3A_289 = tpu.memref_squeeze %dma_wait3A_288 : memref<1x128x64xf32, #tpu.memory_space<vmem>> -> memref<128x64xf32, #tpu.memory_space<vmem>>
      %dma_wait3A_290 = tpu.memref_slice %arg5[%mul3A_283] : memref<25600xi32, #tpu.memory_space<vmem>> -> memref<128xi32, #tpu.memory_space<vmem>>
      %dma_wait3A_291 = arith.constant 0 : i32
      %dma_wait3A_292 = arith.constant 0 : i32
      %dma_wait3A_293 = tpu.memref_slice %arg3[%dma_wait3A_291, %dma_wait3A_292] : memref<1000000x64xf32, #tpu.memory_space<hbm>> -> memref<1000000x64xf32, #tpu.memory_space<hbm>>
      %dma_wait3A_294 = tpu.memref_slice %arg8[%dma_wait3A_285] : memref<4x!tpu.dma_semaphore, #tpu.memory_space<semaphore_mem>> -> memref<1x!tpu.dma_semaphore, #tpu.memory_space<semaphore_mem>>
      %dma_wait3A_295 = tpu.memref_squeeze %dma_wait3A_294 : memref<1x!tpu.dma_semaphore, #tpu.memory_space<semaphore_mem>> -> memref<!tpu.dma_semaphore, #tpu.memory_space<semaphore_mem>>
      tpu.wait_indirect_dma semaphore(%dma_wait3A_295 : memref<!tpu.dma_semaphore, #tpu.memory_space<semaphore_mem>>) src(%dma_wait3A_293 : memref<1000000x64xf32, #tpu.memory_space<hbm>>) dst(%dma_wait3A_289 : memref<128x64xf32, #tpu.memory_space<vmem>>)
      %parallel_loop3A_296 = arith.constant 0 : i32
      %parallel_loop3A_297 = arith.constant 128 : i32
      %parallel_loop3A_298 = arith.constant 1 : i32
      scf.for %parallel_loop3A_318 = %parallel_loop3A_296 to %parallel_loop3A_297 step %parallel_loop3A_298  : i32 {
        %parallel_loop3A_319 = arith.constant 3 : i32
        %parallel_loop3A_320 = arith.index_cast %parallel_loop3A_319 : i32 to index
        %parallel_loop3A_321 = arith.index_cast %parallel_loop3A_318 : i32 to index
        %parallel_loop3A_322 = arith.constant 0 : index
        %parallel_loop3A_323 = tpu.vector_load %arg6[%parallel_loop3A_320, %parallel_loop3A_321, %parallel_loop3A_322] {strides = array<i32>} : memref<4x128x64xf32, #tpu.memory_space<vmem>>, vector<1x1x16xf32>,
        %parallel_loop3A_324 = vector.shape_cast %parallel_loop3A_323 : vector<1x1x16xf32> to vector<16xf32>
        %parallel_loop3A_325 = arith.constant 8.000000e+00 : f32
        %parallel_loop3A_326 = vector.broadcast %parallel_loop3A_325 : f32 to vector<16xf32>
        %parallel_loop3A_327 = arith.mulf %parallel_loop3A_324, %parallel_loop3A_326 : vector<16xf32>
        %parallel_loop3A_328 = arith.constant 3 : i32
        %parallel_loop3A_329 = arith.index_cast %parallel_loop3A_328 : i32 to index
        %parallel_loop3A_330 = arith.index_cast %parallel_loop3A_318 : i32 to index
        %parallel_loop3A_331 = arith.constant 0 : index
        %parallel_loop3A_332 = tpu.vector_load %arg7[%parallel_loop3A_329, %parallel_loop3A_330, %parallel_loop3A_331] {strides = array<i32>} : memref<4x128x128xf32, #tpu.memory_space<vmem>>, vector<1x1x16xf32>,
        %parallel_loop3A_333 = vector.shape_cast %parallel_loop3A_332 : vector<1x1x16xf32> to vector<16xf32>
        %parallel_loop3A_334 = vector.shape_cast %parallel_loop3A_327 : vector<16xf32> to vector<1x1x16xf32>
        tpu.vector_store %arg7[%parallel_loop3A_329, %parallel_loop3A_330, %parallel_loop3A_331], %parallel_loop3A_334 {strides = array<i32>} : memref<4x128x128xf32, #tpu.memory_space<vmem>>, vector<1x1x16xf32>,
        %parallel_loop3A_335 = arith.constant 3 : i32
        %parallel_loop3A_336 = arith.index_cast %parallel_loop3A_335 : i32 to index
        %parallel_loop3A_337 = arith.index_cast %parallel_loop3A_318 : i32 to index
        %parallel_loop3A_338 = arith.constant 16 : index
        %parallel_loop3A_339 = tpu.vector_load %arg6[%parallel_loop3A_336, %parallel_loop3A_337, %parallel_loop3A_338] {strides = array<i32>} : memref<4x128x64xf32, #tpu.memory_space<vmem>>, vector<1x1x16xf32>,
        %parallel_loop3A_340 = vector.shape_cast %parallel_loop3A_339 : vector<1x1x16xf32> to vector<16xf32>
        %parallel_loop3A_341 = arith.constant 8.000000e+00 : f32
        %parallel_loop3A_342 = vector.broadcast %parallel_loop3A_341 : f32 to vector<16xf32>
        %parallel_loop3A_343 = arith.mulf %parallel_loop3A_340, %parallel_loop3A_342 : vector<16xf32>
        %parallel_loop3A_344 = arith.constant 3 : i32
        %parallel_loop3A_345 = arith.index_cast %parallel_loop3A_344 : i32 to index
        %parallel_loop3A_346 = arith.index_cast %parallel_loop3A_318 : i32 to index
        %parallel_loop3A_347 = arith.constant 16 : index
        %parallel_loop3A_348 = tpu.vector_load %arg7[%parallel_loop3A_345, %parallel_loop3A_346, %parallel_loop3A_347] {strides = array<i32>} : memref<4x128x128xf32, #tpu.memory_space<vmem>>, vector<1x1x16xf32>,
        %parallel_loop3A_349 = vector.shape_cast %parallel_loop3A_348 : vector<1x1x16xf32> to vector<16xf32>
        %parallel_loop3A_350 = vector.shape_cast %parallel_loop3A_343 : vector<16xf32> to vector<1x1x16xf32>
        tpu.vector_store %arg7[%parallel_loop3A_345, %parallel_loop3A_346, %parallel_loop3A_347], %parallel_loop3A_350 {strides = array<i32>} : memref<4x128x128xf32, #tpu.memory_space<vmem>>, vector<1x1x16xf32>,
        %parallel_loop3A_351 = arith.constant 3 : i32
        %parallel_loop3A_352 = arith.index_cast %parallel_loop3A_351 : i32 to index
        %parallel_loop3A_353 = arith.index_cast %parallel_loop3A_318 : i32 to index
        %parallel_loop3A_354 = arith.constant 32 : index
        %parallel_loop3A_355 = tpu.vector_load %arg6[%parallel_loop3A_352, %parallel_loop3A_353, %parallel_loop3A_354] {strides = array<i32>} : memref<4x128x64xf32, #tpu.memory_space<vmem>>, vector<1x1x16xf32>,
        %parallel_loop3A_356 = vector.shape_cast %parallel_loop3A_355 : vector<1x1x16xf32> to vector<16xf32>
        %parallel_loop3A_357 = arith.constant 8.000000e+00 : f32
        %parallel_loop3A_358 = vector.broadcast %parallel_loop3A_357 : f32 to vector<16xf32>
        %parallel_loop3A_359 = arith.mulf %parallel_loop3A_356, %parallel_loop3A_358 : vector<16xf32>
        %parallel_loop3A_360 = arith.constant 3 : i32
        %parallel_loop3A_361 = arith.index_cast %parallel_loop3A_360 : i32 to index
        %parallel_loop3A_362 = arith.index_cast %parallel_loop3A_318 : i32 to index
        %parallel_loop3A_363 = arith.constant 32 : index
        %parallel_loop3A_364 = tpu.vector_load %arg7[%parallel_loop3A_361, %parallel_loop3A_362, %parallel_loop3A_363] {strides = array<i32>} : memref<4x128x128xf32, #tpu.memory_space<vmem>>, vector<1x1x16xf32>,
        %parallel_loop3A_365 = vector.shape_cast %parallel_loop3A_364 : vector<1x1x16xf32> to vector<16xf32>
        %parallel_loop3A_366 = vector.shape_cast %parallel_loop3A_359 : vector<16xf32> to vector<1x1x16xf32>
        tpu.vector_store %arg7[%parallel_loop3A_361, %parallel_loop3A_362, %parallel_loop3A_363], %parallel_loop3A_366 {strides = array<i32>} : memref<4x128x128xf32, #tpu.memory_space<vmem>>, vector<1x1x16xf32>,
        %parallel_loop3A_367 = arith.constant 3 : i32
        %parallel_loop3A_368 = arith.index_cast %parallel_loop3A_367 : i32 to index
        %parallel_loop3A_369 = arith.index_cast %parallel_loop3A_318 : i32 to index
        %parallel_loop3A_370 = arith.constant 48 : index
        %parallel_loop3A_371 = tpu.vector_load %arg6[%parallel_loop3A_368, %parallel_loop3A_369, %parallel_loop3A_370] {strides = array<i32>} : memref<4x128x64xf32, #tpu.memory_space<vmem>>, vector<1x1x16xf32>,
        %parallel_loop3A_372 = vector.shape_cast %parallel_loop3A_371 : vector<1x1x16xf32> to vector<16xf32>
        %parallel_loop3A_373 = arith.constant 8.000000e+00 : f32
        %parallel_loop3A_374 = vector.broadcast %parallel_loop3A_373 : f32 to vector<16xf32>
        %parallel_loop3A_375 = arith.mulf %parallel_loop3A_372, %parallel_loop3A_374 : vector<16xf32>
        %parallel_loop3A_376 = arith.constant 3 : i32
        %parallel_loop3A_377 = arith.index_cast %parallel_loop3A_376 : i32 to index
        %parallel_loop3A_378 = arith.index_cast %parallel_loop3A_318 : i32 to index
        %parallel_loop3A_379 = arith.constant 48 : index
        %parallel_loop3A_380 = tpu.vector_load %arg7[%parallel_loop3A_377, %parallel_loop3A_378, %parallel_loop3A_379] {strides = array<i32>} : memref<4x128x128xf32, #tpu.memory_space<vmem>>, vector<1x1x16xf32>,
        %parallel_loop3A_381 = vector.shape_cast %parallel_loop3A_380 : vector<1x1x16xf32> to vector<16xf32>
        %parallel_loop3A_382 = vector.shape_cast %parallel_loop3A_375 : vector<16xf32> to vector<1x1x16xf32>
        tpu.vector_store %arg7[%parallel_loop3A_377, %parallel_loop3A_378, %parallel_loop3A_379], %parallel_loop3A_382 {strides = array<i32>} : memref<4x128x128xf32, #tpu.memory_space<vmem>>, vector<1x1x16xf32>,
      } {sc.loop_unroll_factor = 4 : i64, sc.parallel_access}
      %mul3A_299 = arith.constant 128 : i32
      %mul3A_300 = arith.muli %add3A_253, %mul3A_299 : i32
      %add3A_301 = arith.addi %mul3A_2, %mul3A_300 : i32
      %dma_start3A_302 = arith.constant 3 : i32
      %dma_start3A_303 = arith.constant 3 : i32
      %dma_start3A_304 = arith.constant 0 : i32
      %dma_start3A_305 = arith.constant 0 : i32
      %dma_start3A_306 = tpu.memref_slice %arg7[%dma_start3A_302, %dma_start3A_304, %dma_start3A_305] : memref<4x128x128xf32, #tpu.memory_space<vmem>> -> memref<1x128x128xf32, #tpu.memory_space<vmem>>
      %dma_start3A_307 = tpu.memref_squeeze %dma_start3A_306 : memref<1x128x128xf32, #tpu.memory_space<vmem>> -> memref<128x128xf32, #tpu.memory_space<vmem>>
      %dma_start3A_308 = arith.constant 0 : i32
      %dma_start3A_309 = tpu.memref_slice %arg4[%add3A_301, %dma_start3A_308] : memref<819200x128xf32, #tpu.memory_space<hbm>> -> memref<128x128xf32, #tpu.memory_space<hbm>>
      %dma_start3A_310 = tpu.memref_slice %arg9[%dma_start3A_303] : memref<4x!tpu.dma_semaphore, #tpu.memory_space<semaphore_mem>> -> memref<1x!tpu.dma_semaphore, #tpu.memory_space<semaphore_mem>>
      %dma_start3A_311 = tpu.memref_squeeze %dma_start3A_310 : memref<1x!tpu.dma_semaphore, #tpu.memory_space<semaphore_mem>> -> memref<!tpu.dma_semaphore, #tpu.memory_space<semaphore_mem>>
      %dma_start3A_312 = arith.constant 0 : i32
      %dma_start3A_313 = tpu.memref_slice %arg4[%add3A_301, %dma_start3A_312] : memref<819200x128xf32, #tpu.memory_space<hbm>> -> memref<128x128xf32, #tpu.memory_space<hbm>>
      %dma_start3A_314 = arith.constant 0 : i32
      %dma_start3A_315 = arith.constant 0 : i32
      %dma_start3A_316 = tpu.memref_slice %arg7[%dma_start3A_302, %dma_start3A_314, %dma_start3A_315] : memref<4x128x128xf32, #tpu.memory_space<vmem>> -> memref<1x128x128xf32, #tpu.memory_space<vmem>>
      %dma_start3A_317 = tpu.memref_squeeze %dma_start3A_316 : memref<1x128x128xf32, #tpu.memory_space<vmem>> -> memref<128x128xf32, #tpu.memory_space<vmem>>
      tpu.enqueue_dma source(%dma_start3A_317 : memref<128x128xf32, #tpu.memory_space<vmem>>) target(%dma_start3A_313 : memref<128x128xf32, #tpu.memory_space<hbm>>) target_semaphore(%dma_start3A_311 : memref<!tpu.dma_semaphore, #tpu.memory_space<semaphore_mem>>)
    }
    %scan3A_31 = arith.constant 50 : i32
    %add3A_32 = arith.constant 25344 : i32
    %add3A_33 = arith.addi %mul3A_2, %add3A_32 : i32
    %dma_wait3A = arith.constant 2 : i32
    %dma_wait3A_34 = arith.constant 2 : i32
    %dma_wait3A_35 = arith.constant 0 : i32
    %dma_wait3A_36 = arith.constant 0 : i32
    %dma_wait3A_37 = tpu.memref_slice %arg7[%dma_wait3A, %dma_wait3A_35, %dma_wait3A_36] : memref<4x128x128xf32, #tpu.memory_space<vmem>> -> memref<1x128x128xf32, #tpu.memory_space<vmem>>
    %dma_wait3A_38 = tpu.memref_squeeze %dma_wait3A_37 : memref<1x128x128xf32, #tpu.memory_space<vmem>> -> memref<128x128xf32, #tpu.memory_space<vmem>>
    %dma_wait3A_39 = arith.constant 0 : i32
    %dma_wait3A_40 = tpu.memref_slice %arg4[%add3A_33, %dma_wait3A_39] : memref<819200x128xf32, #tpu.memory_space<hbm>> -> memref<128x128xf32, #tpu.memory_space<hbm>>
    %dma_wait3A_41 = tpu.memref_slice %arg9[%dma_wait3A_34] : memref<4x!tpu.dma_semaphore, #tpu.memory_space<semaphore_mem>> -> memref<1x!tpu.dma_semaphore, #tpu.memory_space<semaphore_mem>>
    %dma_wait3A_42 = tpu.memref_squeeze %dma_wait3A_41 : memref<1x!tpu.dma_semaphore, #tpu.memory_space<semaphore_mem>> -> memref<!tpu.dma_semaphore, #tpu.memory_space<semaphore_mem>>
    %dma_wait3A_43 = arith.constant 0 : i32
    %dma_wait3A_44 = tpu.memref_slice %arg4[%add3A_33, %dma_wait3A_43] : memref<819200x128xf32, #tpu.memory_space<hbm>> -> memref<128x128xf32, #tpu.memory_space<hbm>>
    %dma_wait3A_45 = arith.constant 0 : i32
    %dma_wait3A_46 = arith.constant 0 : i32
    %dma_wait3A_47 = tpu.memref_slice %arg7[%dma_wait3A, %dma_wait3A_45, %dma_wait3A_46] : memref<4x128x128xf32, #tpu.memory_space<vmem>> -> memref<1x128x128xf32, #tpu.memory_space<vmem>>
    %dma_wait3A_48 = tpu.memref_squeeze %dma_wait3A_47 : memref<1x128x128xf32, #tpu.memory_space<vmem>> -> memref<128x128xf32, #tpu.memory_space<vmem>>
    tpu.wait_dma2 semaphore(%dma_wait3A_42 : memref<!tpu.dma_semaphore, #tpu.memory_space<semaphore_mem>>) src(%dma_wait3A_48 : memref<128x128xf32, #tpu.memory_space<vmem>>) dst(%dma_wait3A_44 : memref<128x128xf32, #tpu.memory_space<hbm>>)
    %add3A_49 = arith.constant 25472 : i32
    %add3A_50 = arith.addi %mul3A_2, %add3A_49 : i32
    %dma_wait3A_51 = arith.constant 3 : i32
    %dma_wait3A_52 = arith.constant 3 : i32
    %dma_wait3A_53 = arith.constant 0 : i32
    %dma_wait3A_54 = arith.constant 0 : i32
    %dma_wait3A_55 = tpu.memref_slice %arg7[%dma_wait3A_51, %dma_wait3A_53, %dma_wait3A_54] : memref<4x128x128xf32, #tpu.memory_space<vmem>> -> memref<1x128x128xf32, #tpu.memory_space<vmem>>
    %dma_wait3A_56 = tpu.memref_squeeze %dma_wait3A_55 : memref<1x128x128xf32, #tpu.memory_space<vmem>> -> memref<128x128xf32, #tpu.memory_space<vmem>>
    %dma_wait3A_57 = arith.constant 0 : i32
    %dma_wait3A_58 = tpu.memref_slice %arg4[%add3A_50, %dma_wait3A_57] : memref<819200x128xf32, #tpu.memory_space<hbm>> -> memref<128x128xf32, #tpu.memory_space<hbm>>
    %dma_wait3A_59 = tpu.memref_slice %arg9[%dma_wait3A_52] : memref<4x!tpu.dma_semaphore, #tpu.memory_space<semaphore_mem>> -> memref<1x!tpu.dma_semaphore, #tpu.memory_space<semaphore_mem>>
    %dma_wait3A_60 = tpu.memref_squeeze %dma_wait3A_59 : memref<1x!tpu.dma_semaphore, #tpu.memory_space<semaphore_mem>> -> memref<!tpu.dma_semaphore, #tpu.memory_space<semaphore_mem>>
    %dma_wait3A_61 = arith.constant 0 : i32
    %dma_wait3A_62 = tpu.memref_slice %arg4[%add3A_50, %dma_wait3A_61] : memref<819200x128xf32, #tpu.memory_space<hbm>> -> memref<128x128xf32, #tpu.memory_space<hbm>>
    %dma_wait3A_63 = arith.constant 0 : i32
    %dma_wait3A_64 = arith.constant 0 : i32
    %dma_wait3A_65 = tpu.memref_slice %arg7[%dma_wait3A_51, %dma_wait3A_63, %dma_wait3A_64] : memref<4x128x128xf32, #tpu.memory_space<vmem>> -> memref<1x128x128xf32, #tpu.memory_space<vmem>>
    %dma_wait3A_66 = tpu.memref_squeeze %dma_wait3A_65 : memref<1x128x128xf32, #tpu.memory_space<vmem>> -> memref<128x128xf32, #tpu.memory_space<vmem>>
    tpu.wait_dma2 semaphore(%dma_wait3A_60 : memref<!tpu.dma_semaphore, #tpu.memory_space<semaphore_mem>>) src(%dma_wait3A_66 : memref<128x128xf32, #tpu.memory_space<vmem>>) dst(%dma_wait3A_62 : memref<128x128xf32, #tpu.memory_space<hbm>>)
    return
  }
}

</mosaic_0001>

<sc_bundles>
// kernel: kernel.3.cloned.1.call-start
scs
__scs_entry_jumppad:
0x0: {  	(pc) =	sbr.rel $0x88, $3  }
0x1: {  	(tag) =	ssettag $0x0;
	lr =	simm.s32 $0x1  }
0x2: {  	[smem:$0x3F9F] =	sst lr;
	_ =	strace $0xD0000000  }
0x3: {  	_ = 	snop  }
0x4: {  	_ = 	snop  }
0x5: {  	_ = 	snop  }
0x6: {  	_ = 	snop  }
0x7: {  	_ = 	snop  }
__scs_overlays_trampoline_lowered:
0x8: {  	[smem:$0x3FAE] =	sst s0  }
0x9: {  	[smem:$0x3FAF] =	sst s1  }
0xa: {  	[smem:$0x3FB0] =	sst s2  }
0xb: {  	[smem:$0x3FB1] =	sst s3  }
0xc: {  	[smem:$0x3FB2] =	sst s4  }
0xd: {  	[smem:$0x3FB3] =	sst s5  }
0xe: {  	[smem:$0x3FB4] =	sst s6  }
0xf: {  	[smem:$0x3FB5] =	sst s7  }
0x10: {  	[smem:$0x3FB6] =	sst s8  }
0x11: {  	[smem:$0x3FB7] =	sst s9;
	s0 =	simm.s32 @!p0 $0x0  }
0x12: {  	s1 =	sld [smem:$0x3F9D];
	s0 =	simm.s32 @p0 $0x1  }
0x13: {  	[smem:$0x3FB8] =	sst s0;
	s0 =	simm.s32 @!p1 $0x0  }
0x14: {  	s2 =	sld [smem:$0x3F9C];
	s0 =	simm.s32 @p1 $0x1  }
0x15: {  	[smem:$0x3FB9] =	sst s0;
	s0 =	simm.s32 @!p2 $0x0  }
0x16: {  	s3 =	sld [smem:$0x3FDB];
	s0 =	simm.s32 @p2 $0x1  }
0x17: {  	s4 =	simm.s32 $0x1BF5;
	[smem:$0x3FBB] =	sst s0  }
0x18: {  	s0 =	sld [smem:$0x3F9E];
	_ =	swait.ge [sflag:s4], $0x0  }
0x19: {  	s7 =	sld [smem:$0x3F9F]  }
0x1a: {  	s8 =	sadd.s32 $0xFFFFE003, lr  }
0x1b: {  	s9 =	sadd.s32 $0xFFFFFEF7, lr;
	s5 =	simm.s32 $0xFFFFFFFF;
	p2 =	slt.u32 s8, $0xFFFFF086  }
0x1c: {  	p1 =	slt.u32 s9, $0xF7A;
	s5 =	simm.s32 @!p2 $0x0  }
0x1d: {  	s5 =	simm.s32 @p1 $0x1;
	p0 =	seq.s32 s7, s2  }
0x1e: {  	s7 =	smul.u32 @!p0 $0xF7A, s2;
	p2 =	seq.s32 @!p0 s5, $0x0  }
0x1f: {  	s9 =	smul.u32 $0xF7A, s1;
	s8 =	simm.s32 @!p0 $0x1BF5;
	p2 =	por !p2, p0  }
0x20: {  	[sflag:s8] =	ssyncset.s32 @!p0 $0xFFFFF086;
	s6 =	sadd.s32 @!p0 s3, s7;
	s7 =	simm.s32 @!p0 $0x108  }
0x21: {  	s3 =	sadd.s32 s3, s9;
	s6 =	sadd.s32 @!p0 $0x88, s6;
	s7 =	simm.s32 @p2 $0x1082  }
0x22: {  	[simem:s7], [sflag:s8] =	dma.local @!p0 [hbm:s6], $0xF7A  }
0x23: {  	s9 =	sor.u32 $0xD0000000, s2;
	s6 =	simm.s32 $0x108;
	_ =	swait.ge @!p0 [sflag:s8], $0x0  }
0x24: {  	s3 =	sadd.s32 $0x88, s3;
	s6 =	simm.s32 @!p1 $0x1082;
	[sflag:s4] =	ssyncset.s32 $0xFFFFF086  }
0x25: {  	[simem:s6], [sflag:s4] =	dma.local [hbm:s3], $0xF7A  }
0x26: {  	[smem:$0x3F9F] =	sst s1;
	(tag) =	ssettag s2;
	_ =	strace s9  }
0x27: {  	s1 =	sld [smem:$0x3FAF]  }
0x28: {  	s2 =	sld [smem:$0x3FB0]  }
0x29: {  	s4 =	sld [smem:$0x3FB2]  }
0x2a: {  	p0 =	seq.s32 s5, $0x0;
	s5 =	sld [smem:$0x3FB3]  }
0x2b: {  	s6 =	sld [smem:$0x3FB4]  }
0x2c: {  	s7 =	sld [smem:$0x3FB5]  }
0x2d: {  	s3 =	simm.s32 $0x108;
	s8 =	sld [smem:$0x3FB6]  }
0x2e: {  	s3 =	simm.s32 @!p0 $0x1082;
	s9 =	sld [smem:$0x3FB7]  }
0x2f: {  	lr =	sadd.s32 s0, s3;
	s0 =	sld [smem:$0x3FAE]  }
0x30: {  	s3 =	sld [smem:$0x3FB1]  }
0x31: {  	[smem:$0x3FBA] =	sst s10  }
0x32: {  	s10 =	sld [smem:$0x3FB8];
	_ =	sdelay $0x3  }
0x33: {  	p0 =	seq.s32 s10, $0x1;
	s10 =	sld [smem:$0x3FBA];
	_ =	sdelay $0x3  }
0x34: {  	[smem:$0x3FBA] =	sst s10  }
0x35: {  	s10 =	sld [smem:$0x3FB9];
	_ =	sdelay $0x3  }
0x36: {  	p1 =	seq.s32 s10, $0x1;
	s10 =	sld [smem:$0x3FBA];
	_ =	sdelay $0x3  }
0x37: {  	[smem:$0x3FBA] =	sst s10  }
0x38: {  	s10 =	sld [smem:$0x3FBB]  }
0x39: {  	_ = 	snop;
	(pc) =	sbr.ind lr, $3  }
0x3a: {  	_ = 	snop  }
0x3b: {  	_ = 	snop  }
0x3c: {  	p2 =	seq.s32 s10, $0x1;
	s10 =	sld [smem:$0x3FBA]  }
0x3d: {  	_ =	shalt  }
0x3e: {  	_ =	shalt  }
0x3f: {  	_ =	shalt  }
0x40: {  	_ =	shalt  }
0x41: {  	_ =	shalt  }
0x42: {  	_ =	shalt  }
0x43: {  	_ =	shalt  }
0x44: {  	_ =	shalt  }
0x45: {  	_ =	shalt  }
0x46: {  	_ =	shalt  }
0x47: {  	_ =	shalt  }
0x48: {  	_ =	shalt  }
0x49: {  	_ =	shalt  }
0x4a: {  	_ =	shalt  }
0x4b: {  	_ =	shalt  }
0x4c: {  	_ =	shalt  }
0x4d: {  	_ =	shalt  }
0x4e: {  	_ =	shalt  }
0x4f: {  	_ =	shalt  }
0x50: {  	_ =	shalt  }
0x51: {  	_ =	shalt  }
0x52: {  	_ =	shalt  }
0x53: {  	_ =	shalt  }
0x54: {  	_ =	shalt  }
0x55: {  	_ =	shalt  }
0x56: {  	_ =	shalt  }
0x57: {  	_ =	shalt  }
0x58: {  	_ =	shalt  }
0x59: {  	_ =	shalt  }
0x5a: {  	_ =	shalt  }
0x5b: {  	_ =	shalt  }
0x5c: {  	_ =	shalt  }
0x5d: {  	_ =	shalt  }
0x5e: {  	_ =	shalt  }
0x5f: {  	_ =	shalt  }
0x60: {  	_ =	shalt  }
0x61: {  	_ =	shalt  }
0x62: {  	_ =	shalt  }
0x63: {  	_ =	shalt  }
0x64: {  	_ =	shalt  }
0x65: {  	_ =	shalt  }
0x66: {  	_ =	shalt  }
0x67: {  	_ =	shalt  }
0x68: {  	_ =	shalt  }
0x69: {  	_ =	shalt  }
0x6a: {  	_ =	shalt  }
0x6b: {  	_ =	shalt  }
0x6c: {  	_ =	shalt  }
0x6d: {  	_ =	shalt  }
0x6e: {  	_ =	shalt  }
0x6f: {  	_ =	shalt  }
0x70: {  	_ =	shalt  }
0x71: {  	_ =	shalt  }
0x72: {  	_ =	shalt  }
0x73: {  	_ =	shalt  }
0x74: {  	_ =	shalt  }
0x75: {  	_ =	shalt  }
0x76: {  	_ =	shalt  }
0x77: {  	_ =	shalt  }
0x78: {  	_ =	shalt  }
0x79: {  	_ =	shalt  }
0x7a: {  	_ =	shalt  }
0x7b: {  	_ =	shalt  }
0x7c: {  	_ =	shalt  }
0x7d: {  	_ =	shalt  }
0x7e: {  	_ =	shalt  }
0x7f: {  	_ =	shalt  }
0x80: {  	_ =	shalt  }
0x81: {  	_ =	shalt  }
0x82: {  	_ =	shalt  }
0x83: {  	_ =	shalt  }
0x84: {  	_ =	shalt  }
0x85: {  	_ =	shalt  }
0x86: {  	_ =	shalt  }
0x87: {  	_ =	shalt  }
.Lfunc_end0:
.L_simem_size_0:
called_computation.1_lowered:
.L_overlay_start_0:
0x88: {  	s2 =	sld [smem:$0x3FD9]  }
0x89: {  	s3 =	sld [smem:$0x3FFE];
	_ =	sdelay $0x1  }
0x8a: {  	s1 =	srdreg.scid  }
0x8b: {  	s0 =	sand.u32 $0x1, s1  }
0x8c: {  	s17 =	sshll.u32 s0, $0xA;
	s2 =	sadd.s32 s3, s2  }
0x8d: {  	s2 =	sadd.s32 s2, s17  }
0x8e: {  	[smem:$0x3FC6] =	sst s2  }
0x8f: {  	_ = 	snop  }
0x90: {  	s2 =	sld [smem:$0x3FD0];
	(tm) =	ssettm $0x1  }
0x91: {  	s18 =	sld [smem:$0x3FFB];
	_ =	sdelay $0x3  }
0x92: {  	_ =	strace s18  }
0x93: {  	s3 =	sld [smem:$0x3FFC];
	_ =	sdelay $0x3  }
0x94: {  	_ =	strace s3  }
0x95: {  	s3 =	sld [smem:$0x3FFD];
	_ =	sdelay $0x3  }
0x96: {  	_ =	strace s3  }
0x97: {  	_ =	strace $0x8FFFFFFF  }
0x98: {  	s19 =	sld [smem:$0x3FDB];
	_ =	sdelay $0x1  }
0x99: {  	s4 =	simm.s32 $_scs_section_size  }
0x9a: {  	s5 =	simm.s32 $_size__tile_overlayer_lowered;
	s6 =	simm.s32 $_tile_overlayer_lowered  }
0x9b: {  	s22 =	simm.s32 $0x1BFF;
	s21 =	sshll.u32 s6, $0x1;
	s3 =	sadd.s32 s4, s19  }
0x9c: {  	s7 =	simm.s32 $0x0;
	s20 =	sshll.u32 s5, $0x1;
	s5 =	sadd.s32 s21, s3  }
0x9d: {  	[timem:s7], [sflag:s22] =	dma.local [hbm:s5], s20  }
0x9e: {  	_ =	swait.ge [sflag:s22], s20  }
0x9f: {  	s4 =	ssub.s32 $0x0, s20;
	[sflag:s22] =	ssyncset.done $0x0  }
0xa0: {  	[sflag:s22] =	ssyncadd.s32 s4;
	_ =	sdelay $0x1  }
0xa1: {  	s23 =	simm.s32 $0x1B8B  }
0xa2: {  	_ =	swait.ge [sflag:s23], $0x1  }
0xa3: {  	[sflag:s23] =	ssyncset.done $0x0  }
0xa4: {  	s25 =	simm.s32 $0x1B8E;
	s24 =	sld [smem:$0x3FFE];
	[sflag:s23] =	ssyncadd.s32 $0xFFFFFFFF  }
0xa5: {  	s26 =	simm.s32 $execute0_lowered;
	[smem:$0x3FD2] =	sst s25  }
0xa6: {  	s5 =	sshll.u32 s26, $0x1;
	_ =	strace $0x80000046;
	[dreg:$0x1] =	wrdreg $0xFFFFFFFF  }
0xa7: {  	s28 =	simm.s32 $_size_execute0_lowered;
	s3 =	sadd.s32 s3, s5;
	[dreg:$0x0] =	wrdreg $0x0  }
0xa8: {  	s5 =	sshll.u32 s28, $0x1;
	[dreg:$0x2] =	wrdreg s3  }
0xa9: {  	[dreg:$0x3] =	wrdreg s5  }
0xaa: {  	[dreg:$0x4] =	wrdreg $0xC0  }
0xab: {  	_ =	task [dreg:s7], $0x5FFFF  }
0xac: {  	[dreg:$0x1] =	wrdreg $0xFFFFFFFF  }
0xad: {  	[dreg:$0x0] =	wrdreg $0x60  }
0xae: {  	[dreg:$0x2] =	wrdreg s2  }
0xaf: {  	[dreg:$0x3] =	wrdreg s24  }
0xb0: {  	[dreg:$0x4] =	wrdreg $0x9  }
0xb1: {  	_ =	task.clear_ibuf [dreg:s7], $0x5FFFF;
	_ =	strace $0x90000046  }
0xb2: {  	s29 =	simm.s32 $0x9;
	_ =	strace $0x80000048  }
0xb3: {  	_ =	swait.ge [sflag:s29], $0x1  }
0xb4: {  	[sflag:s29] =	ssyncadd.s32 $0xFFFFFFFF  }
0xb5: {  	_ =	strace $0x90000048  }
0xb6: {  	_ =	sfence  }
0xb7: {  	s30 =	sld [smem:$0x0];
	_ =	sdelay $0x2  }
0xb8: {  	s31 =	sshll.u32 s1, $0xD;
	s1 =	sshrl.u32 s1, $0x2  }
0xb9: {  	s3 =	sand.u32 $0x4000, s31;
	s1 =	sadd.s32 s1, s30  }
0xba: {  	s0 =	sor.u32 s3, s0;
	s1 =	sshll.u32 s1, $0x11  }
0xbb: {  	s0 =	sor.u32 s1, s0  }
0xbc: {  	s0 =	sadd.s32 $0x8F2B, s0  }
0xbd: {  	[sflag:s0] =	ssyncadd.remote.s32 $0x1  }
0xbe: {  	_ =	sfence.sel $0xFFFF  }
0xbf: {  	[dreg:$0x0] =	wrdreg $0xFFFFFFFF;
	(pc) =	sbr.abs _section_cstart, $3  }
0xc0: {  	[dreg:$0x1] =	wrdreg $0xFFFFFFFF  }
0xc1: {  	_ =	task.clear_ibuf [dreg:s7], $0x2FFFF;
	_ =	strace $0x9FFFFFFF  }
0xc2: {  	(tm) =	ssettm $0x7FFFFFFF  }
0xc3: {  	_ =	shalt  }
tec
execute0_lowered:
.L_overlay_start_1:
0x0: {  	(tag) =	ssettag $0x1  }
0x1: {  	s0 =	rddreg [dreg:$0x0];
	s1 =	srdreg.scid  }
0x2: {  	s2 =	stileid.u32;
	s5 =	rddreg [dreg:$0x1];
	s11 =	simm.s32 $0x80  }
0x3: {  	s14 =	simm.s32 $0xA400;
	s15 =	simm.s32 $0x1;
	s16 =	simm.s32 $0xE400  }
0x4: {  	s17 =	simm.s32 $0xC400;
	s18 =	simm.s32 $0x2;
	s19 =	simm.s32 $0x12400  }
0x5: {  	s20 =	simm.s32 $0x5;
	s21 =	simm.s32 $0x3;
	s22 =	simm.s32 $0x16400  }
0x6: {  	s23 =	simm.s32 $0x6;
	s24 =	simm.s32 $0x4;
	s25 =	simm.s32 $0x1A400  }
0x7: {  	s29 =	simm.s32 $0x0;
	s1 =	sand.u32 $0x1, s1;
	s3 =	sshll.u32 s2, $0x1  }
0x8: {  	s28 =	simm.s32 $0x84F0;
	s6 =	sor.u32 s1, s3;
	s1 =	ssub.s32 $0x2, s1  }
0x9: {  	s2 =	simm.s32 $0x0;
	s3 =	smul.u32 $0x6400, s6;
	s7 =	sshrl.u32 s1, $0x1  }
0xa: {  	s4 =	sadd.s32 $0xF42E00, s5;
	s5 =	sadd.s32 $0xA00, s5;
	s1 =	ssub.s32 s1, s7  }
0xb: {  	[smem:$0x7FF] =	sst s2;
	s8 =	sshrl.u32 s3, $0x3;
	s31 =	smax.u32 s1, $0x1  }
0xc: {  	_ =	strace $0x80000047;
	s0 =	sadd.s32 s0, s8;
	[dreg:$0x4] =	wrdreg s31  }
0xd: {  	s7 =	smul.u32 $0x320000, s6;
	s8 =	sor.u32 $0x80, s3;
	[dreg:$0x3] =	wrdreg s0  }
.LBB2_1:
0xe: {  	s0 =	rddreg [dreg:$0x3];
	s13 =	simm.s32 $0x9  }
0xf: {  	[tilespmem:s2], [sflag:$0x9] =	stream.linear.gather [hbm4b:s0+s2], $0x6400, $0x38;
	[tilespmem:$0x1E400] =	vst v63  }
0x10: {  	_ =	swait.ge [sflag:s13], $0x6400  }
0x11: {  	[sflag:s13] =	ssyncset.done $0x0  }
0x12: {  	s26 =	simm.s32 $0x6400;
	[sflag:s13] =	ssyncadd.s32 $0xFFFF9C00  }
0x13: {  	[tilespmem:s26], [sflag:$0x1] =	stream.indirect.gather [hbm4b:s4+s11], $0x40, s2, s11, $0xb8;
	[tilespmem:$0x1E400] =	vst v63  }
0x14: {  	s31 =	simm.s32 $0x8400;
	s30 =	simm.s32 $0x0  }
0x15: {  	[tilespmem:s31], [sflag:$0x2] =	stream.indirect.gather [hbm4b:s4+s11], $0x40, s11, s11, $0xb8;
	[tilespmem:$0x1E400] =	vst v63  }
.LBB2_2:
0x16: {  	p0 =	seq.s32 s30, $0x0  }
0x17: {  	s1 =	simm.s32 @!p0 $0x7  }
0x18: {  	_ =	swait.ge @!p0 [sflag:s1], $0x4000  }
0x19: {  	s0 =	sshll.u32 s30, $0x9;
	[sflag:s1] =	ssyncset.done @!p0 $0x0  }
0x1a: {  	s31 =	sor.u32 $0x100, s0;
	[sflag:s1] =	ssyncadd.s32 @!p0 $0xFFFFC000  }
0x1b: {  	[tilespmem:s14], [sflag:$0x3] =	stream.indirect.gather [hbm4b:s4+s11], $0x40, s31, s11, $0xb8;
	[tilespmem:$0x1E400] =	vst v63  }
0x1c: {  	_ =	swait.ge [sflag:s15], $0x2000  }
0x1d: {  	[sflag:s15] =	ssyncset.done $0x0  }
0x1e: {  	s26 =	simm.s32 $0x6480;
	[sflag:s15] =	ssyncadd.s32 $0xFFFFE000  }
0x1f: {  	v0 =	vld [tilespmem:s26+$0x40];
	_ =	sdelay $0x3  }
0x20: {  	v1 =	vld [tilespmem:s26+$0xFFFFFF80]  }
0x21: {  	v2 =	vld [tilespmem:s26+$0xFFFFFFC0];
	v0 =	vmul.f32 $8.000000000e+00, v0  }
0x22: {  	s1 =	simm.s32 $0xE500;
	v3 =	vld [tilespmem:s26+$0x0]  }
0x23: {  	[tilespmem:s1+$0x80] =	vst v0  }
0x24: {  	v0 =	vld [tilespmem:s26+$0x50]  }
0x25: {  	v1 =	vmul.f32 $8.000000000e+00, v1  }
0x26: {  	v2 =	vmul.f32 $8.000000000e+00, v2  }
0x27: {  	v3 =	vmul.f32 $8.000000000e+00, v3;
	[tilespmem:s1+$0xFFFFFF00] =	vst v1  }
0x28: {  	[tilespmem:s1+$0xFFFFFF80] =	vst v2;
	v1 =	vld [tilespmem:s26+$0xFFFFFF90]  }
0x29: {  	[tilespmem:s1+$0x0] =	vst v3;
	v2 =	vld [tilespmem:s26+$0xFFFFFFD0];
	v0 =	vmul.f32 $8.000000000e+00, v0  }
0x2a: {  	s13 =	simm.s32 $0x6580;
	v3 =	vld [tilespmem:s26+$0x10]  }
0x2b: {  	[tilespmem:s1+$0x90] =	vst v0;
	v0 =	vld [tilespmem:s13+$0x40]  }
0x2c: {  	v4 =	vld [tilespmem:s26+$0x60]  }
0x2d: {  	v5 =	vld [tilespmem:s13+$0xFFFFFFC0];
	v1 =	vmul.f32 $8.000000000e+00, v1  }
0x2e: {  	v6 =	vld [tilespmem:s13+$0x0];
	v2 =	vmul.f32 $8.000000000e+00, v2  }
0x2f: {  	v3 =	vmul.f32 $8.000000000e+00, v3;
	[tilespmem:s1+$0xFFFFFF10] =	vst v1;
	v1 =	vld [tilespmem:s13+$0xFFFFFF80]  }
0x30: {  	[tilespmem:s1+$0xFFFFFF90] =	vst v2;
	v2 =	vld [tilespmem:s26+$0xFFFFFFA0];
	v0 =	vmul.f32 $8.000000000e+00, v0  }
0x31: {  	s6 =	simm.s32 $0xE700;
	[tilespmem:s1+$0x10] =	vst v3;
	v7 =	vld [tilespmem:s26+$0xFFFFFFE0];
	v3 =	vmul.f32 $8.000000000e+00, v4  }
0x32: {  	v4 =	vmul.f32 $8.000000000e+00, v5;
	[tilespmem:s6+$0x80] =	vst v0;
	v0 =	vld [tilespmem:s26+$0x20]  }
0x33: {  	v5 =	vmul.f32 $8.000000000e+00, v6;
	v6 =	vld [tilespmem:s13+$0x50];
	[tilespmem:s1+$0xA0] =	vst v3  }
0x34: {  	v1 =	vmul.f32 $8.000000000e+00, v1;
	[tilespmem:s6+$0xFFFFFF80] =	vst v4;
	v8 =	vld [tilespmem:s26+$0x70]  }
0x35: {  	v2 =	vmul.f32 $8.000000000e+00, v2;
	[tilespmem:s6+$0x0] =	vst v5;
	v9 =	vld [tilespmem:s13+$0xFFFFFFD0]  }
0x36: {  	[tilespmem:s6+$0xFFFFFF00] =	vst v1;
	v5 =	vmul.f32 $8.000000000e+00, v7;
	v3 =	vld [tilespmem:s13+$0x10]  }
0x37: {  	v4 =	vld [tilespmem:s13+$0xFFFFFF90];
	[tilespmem:s1+$0xFFFFFF20] =	vst v2;
	v2 =	vmul.f32 $8.000000000e+00, v0  }
0x38: {  	v1 =	vld [tilespmem:s26+$0xFFFFFFB0];
	[tilespmem:s1+$0xFFFFFFA0] =	vst v5;
	v7 =	vmul.f32 $8.000000000e+00, v6  }
0x39: {  	v0 =	vld [tilespmem:s26+$0xFFFFFFF0];
	[tilespmem:s1+$0x20] =	vst v2;
	v5 =	vmul.f32 $8.000000000e+00, v8  }
0x3a: {  	s12 =	sshll.u32 s30, $0xB;
	s9 =	simm.s32 $0x4;
	s10 =	simm.s32 $0x6680;
	v6 =	vmul.f32 $8.000000000e+00, v9;
	[tilespmem:s6+$0x90] =	vst v7;
	v2 =	vld [tilespmem:s26+$0x30]  }
.LBB2_3:
0x3b: {  	v7 =	vld [tilespmem:s10+$0x40];
	v3 =	vmul.f32 $8.000000000e+00, v3;
	[tilespmem:s1+$0xB0] =	vst v5  }
0x3c: {  	s9 =	sadd.s32 $0x4, s9;
	v4 =	vmul.f32 $8.000000000e+00, v4;
	[tilespmem:s6+$0xFFFFFF90] =	vst v6;
	v5 =	vld [tilespmem:s13+$0x60]  }
0x3d: {  	p1 =	slt.u32 s9, $0x7C;
	v6 =	vld [tilespmem:s10+$0xFFFFFFC0];
	[tilespmem:s6+$0x10] =	vst v3;
	v1 =	vmul.f32 $8.000000000e+00, v1  }
0x3e: {  	v3 =	vld [tilespmem:s10+$0x0];
	[tilespmem:s6+$0xFFFFFF10] =	vst v4;
	v0 =	vmul.f32 $8.000000000e+00, v0  }
0x3f: {  	v4 =	vld [tilespmem:s10+$0xFFFFFF80];
	[tilespmem:s1+$0xFFFFFF30] =	vst v1;
	v1 =	vmul.f32 $8.000000000e+00, v2  }
0x40: {  	v2 =	vmul.f32 $8.000000000e+00, v7;
	v7 =	vld [tilespmem:s13+$0xFFFFFFA0];
	[tilespmem:s1+$0xFFFFFFB0] =	vst v0  }
0x41: {  	v0 =	vld [tilespmem:s13+$0xFFFFFFE0];
	v5 =	vmul.f32 $8.000000000e+00, v5;
	[tilespmem:s1+$0x30] =	vst v1;
	s1 =	smov.u32 s6;
	s6 =	sadd.s32 $0x200, s6  }
0x42: {  	v1 =	vmul.f32 $8.000000000e+00, v6;
	[tilespmem:s6+$0x80] =	vst v2;
	v2 =	vld [tilespmem:s13+$0x20]  }
0x43: {  	v3 =	vmul.f32 $8.000000000e+00, v3;
	v6 =	vld [tilespmem:s10+$0x50];
	[tilespmem:s1+$0xA0] =	vst v5  }
0x44: {  	v4 =	vmul.f32 $8.000000000e+00, v4;
	[tilespmem:s6+$0xFFFFFF80] =	vst v1;
	v5 =	vld [tilespmem:s13+$0x70]  }
0x45: {  	v8 =	vld [tilespmem:s10+$0xFFFFFFD0];
	[tilespmem:s6+$0x0] =	vst v3;
	v1 =	vmul.f32 $8.000000000e+00, v7  }
.Ltmp0:
0x46: {  	[tilespmem:s6+$0xFFFFFF00] =	vst v4;
	v3 =	vld [tilespmem:s10+$0x10];
	v0 =	vmul.f32 $8.000000000e+00, v0;
	(pc) =	sbr.rel @p1 .LBB2_3-.Ltmp0, $4  }
0x47: {  	v4 =	vld [tilespmem:s10+$0xFFFFFF90];
	[tilespmem:s1+$0xFFFFFF20] =	vst v1;
	v2 =	vmul.f32 $8.000000000e+00, v2  }
0x48: {  	v7 =	vmul.f32 $8.000000000e+00, v6;
	v1 =	vld [tilespmem:s13+$0xFFFFFFB0];
	[tilespmem:s1+$0xFFFFFFA0] =	vst v0  }
0x49: {  	v0 =	vld [tilespmem:s13+$0xFFFFFFF0];
	[tilespmem:s1+$0x20] =	vst v2;
	v5 =	vmul.f32 $8.000000000e+00, v5  }
0x4a: {  	v6 =	vmul.f32 $8.000000000e+00, v8;
	[tilespmem:s6+$0x90] =	vst v7;
	v2 =	vld [tilespmem:s13+$0x30];
	s13 =	smov.u32 s10;
	s10 =	sadd.s32 $0x100, s10  }
0x4b: {  	_ = 	snop  }
0x4c: {  	v4 =	vmul.f32 $8.000000000e+00, v4;
	_ =	sdelay $0x1  }
0x4d: {  	v3 =	vmul.f32 $8.000000000e+00, v3;
	v7 =	vld [tilespmem:s13+$0x60];
	[tilespmem:s6+$0xFFFFFF10] =	vst v4  }
0x4e: {  	[tilespmem:s6+$0xFFFFFF90] =	vst v6;
	v4 =	vld [tilespmem:s13+$0xFFFFFFA0]  }
0x4f: {  	[tilespmem:s6+$0x10] =	vst v3;
	v3 =	vld [tilespmem:s13+$0xFFFFFFE0]  }
0x50: {  	v6 =	vld [tilespmem:s13+$0x20];
	_ =	sdelay $0x1  }
0x51: {  	v7 =	vmul.f32 $8.000000000e+00, v7  }
0x52: {  	v4 =	vmul.f32 $8.000000000e+00, v4  }
0x53: {  	[tilespmem:s6+$0xA0] =	vst v7;
	v3 =	vmul.f32 $8.000000000e+00, v3  }
0x54: {  	v7 =	vld [tilespmem:s13+$0x70];
	[tilespmem:s6+$0xFFFFFF20] =	vst v4;
	v4 =	vmul.f32 $8.000000000e+00, v6  }
0x55: {  	[tilespmem:s6+$0xFFFFFFA0] =	vst v3;
	v6 =	vld [tilespmem:s13+$0xFFFFFFB0]  }
0x56: {  	v1 =	vmul.f32 $8.000000000e+00, v1;
	v3 =	vld [tilespmem:s13+$0xFFFFFFF0];
	[tilespmem:s6+$0x20] =	vst v4  }
0x57: {  	[tilespmem:s1+$0xB0] =	vst v5;
	v0 =	vmul.f32 $8.000000000e+00, v0;
	v4 =	vld [tilespmem:s13+$0x30]  }
0x58: {  	[tilespmem:s1+$0xFFFFFF30] =	vst v1;
	v1 =	vmul.f32 $8.000000000e+00, v2  }
0x59: {  	[tilespmem:s1+$0xFFFFFFB0] =	vst v0;
	v0 =	vmul.f32 $8.000000000e+00, v7  }
0x5a: {  	[tilespmem:s1+$0x30] =	vst v1;
	v1 =	vmul.f32 $8.000000000e+00, v6  }
0x5b: {  	s26 =	sshll.u32 s30, $0x10;
	[tilespmem:s6+$0xB0] =	vst v0;
	v0 =	vmul.f32 $8.000000000e+00, v3  }
0x5c: {  	s1 =	sadd.s32 s7, s26;
	[tilespmem:s6+$0xFFFFFF30] =	vst v1;
	v1 =	vmul.f32 $8.000000000e+00, v4  }
0x5d: {  	s1 =	sshrl.u32 s1, $0x3;
	[tilespmem:s6+$0xFFFFFFB0] =	vst v0  }
0x5e: {  	s1 =	sadd.s32 s5, s1;
	[tilespmem:s6+$0x30] =	vst v1  }
0x5f: {  	[hbm4b:s1+s2] =	stream.linear.scatter [tilespmem:s16], [sflag:$0x5], $0x4000, $0x38;
	[tilespmem:$0x1E400] =	vst v63  }
0x60: {  	s1 =	simm.s32 @!p0 $0x8  }
0x61: {  	_ =	swait.ge @!p0 [sflag:s1], $0x4000  }
0x62: {  	[sflag:s1] =	ssyncset.done @!p0 $0x0  }
0x63: {  	[sflag:s1] =	ssyncadd.s32 @!p0 $0xFFFFC000;
	s1 =	sor.u32 $0x180, s0  }
0x64: {  	[tilespmem:s17], [sflag:$0x4] =	stream.indirect.gather [hbm4b:s4+s11], $0x40, s1, s11, $0xb8;
	[tilespmem:$0x1E400] =	vst v63  }
0x65: {  	_ =	swait.ge [sflag:s18], $0x2000  }
0x66: {  	[sflag:s18] =	ssyncset.done $0x0  }
0x67: {  	[sflag:s18] =	ssyncadd.s32 $0xFFFFE000  }
0x68: {  	v0 =	vld [tilespmem:s28+$0xFFFFFFD0];
	_ =	sdelay $0x3  }
0x69: {  	v1 =	vld [tilespmem:s28+$0xFFFFFF10]  }
0x6a: {  	v2 =	vld [tilespmem:s28+$0xFFFFFF50];
	v0 =	vmul.f32 $8.000000000e+00, v0  }
0x6b: {  	s13 =	simm.s32 $0x125B0;
	v3 =	vld [tilespmem:s28+$0xFFFFFF90]  }
0x6c: {  	[tilespmem:s13+$0xFFFFFFD0] =	vst v0  }
0x6d: {  	v0 =	vld [tilespmem:s28+$0xFFFFFFE0]  }
0x6e: {  	v1 =	vmul.f32 $8.000000000e+00, v1  }
0x6f: {  	v2 =	vmul.f32 $8.000000000e+00, v2  }
0x70: {  	v3 =	vmul.f32 $8.000000000e+00, v3;
	[tilespmem:s13+$0xFFFFFE50] =	vst v1  }
0x71: {  	[tilespmem:s13+$0xFFFFFED0] =	vst v2;
	v1 =	vld [tilespmem:s28+$0xFFFFFF20]  }
0x72: {  	[tilespmem:s13+$0xFFFFFF50] =	vst v3;
	v2 =	vld [tilespmem:s28+$0xFFFFFF60];
	v0 =	vmul.f32 $8.000000000e+00, v0  }
0x73: {  	s6 =	simm.s32 $0x85F0;
	v3 =	vld [tilespmem:s28+$0xFFFFFFA0]  }
0x74: {  	[tilespmem:s13+$0xFFFFFFE0] =	vst v0;
	v0 =	vld [tilespmem:s6+$0xFFFFFFD0]  }
0x75: {  	v4 =	vld [tilespmem:s28+$0xFFFFFFF0]  }
0x76: {  	v5 =	vld [tilespmem:s6+$0xFFFFFF50];
	v1 =	vmul.f32 $8.000000000e+00, v1  }
0x77: {  	v6 =	vld [tilespmem:s6+$0xFFFFFF90];
	v2 =	vmul.f32 $8.000000000e+00, v2  }
0x78: {  	v3 =	vmul.f32 $8.000000000e+00, v3;
	[tilespmem:s13+$0xFFFFFE60] =	vst v1;
	v1 =	vld [tilespmem:s6+$0xFFFFFF10]  }
0x79: {  	[tilespmem:s13+$0xFFFFFEE0] =	vst v2;
	v2 =	vld [tilespmem:s28+$0xFFFFFF30];
	v0 =	vmul.f32 $8.000000000e+00, v0  }
0x7a: {  	s9 =	simm.s32 $0x127B0;
	[tilespmem:s13+$0xFFFFFF60] =	vst v3;
	v7 =	vld [tilespmem:s28+$0xFFFFFF70];
	v3 =	vmul.f32 $8.000000000e+00, v4  }
0x7b: {  	v4 =	vmul.f32 $8.000000000e+00, v5;
	[tilespmem:s9+$0xFFFFFFD0] =	vst v0;
	v0 =	vld [tilespmem:s28+$0xFFFFFFB0]  }
0x7c: {  	v5 =	vmul.f32 $8.000000000e+00, v6;
	v6 =	vld [tilespmem:s6+$0xFFFFFFE0];
	[tilespmem:s13+$0xFFFFFFF0] =	vst v3  }
0x7d: {  	v1 =	vmul.f32 $8.000000000e+00, v1;
	[tilespmem:s9+$0xFFFFFED0] =	vst v4;
	v8 =	vld [tilespmem:s28+$0x0]  }
0x7e: {  	v2 =	vmul.f32 $8.000000000e+00, v2;
	[tilespmem:s9+$0xFFFFFF50] =	vst v5;
	v9 =	vld [tilespmem:s6+$0xFFFFFF60]  }
0x7f: {  	[tilespmem:s9+$0xFFFFFE50] =	vst v1;
	v5 =	vmul.f32 $8.000000000e+00, v7;
	v3 =	vld [tilespmem:s6+$0xFFFFFFA0]  }
0x80: {  	v4 =	vld [tilespmem:s6+$0xFFFFFF20];
	[tilespmem:s13+$0xFFFFFE70] =	vst v2;
	v2 =	vmul.f32 $8.000000000e+00, v0  }
0x81: {  	v1 =	vld [tilespmem:s28+$0xFFFFFF40];
	[tilespmem:s13+$0xFFFFFEF0] =	vst v5;
	v7 =	vmul.f32 $8.000000000e+00, v6  }
0x82: {  	v0 =	vld [tilespmem:s28+$0xFFFFFF80];
	[tilespmem:s13+$0xFFFFFF70] =	vst v2;
	v5 =	vmul.f32 $8.000000000e+00, v8  }
0x83: {  	s10 =	simm.s32 $0x4;
	s26 =	simm.s32 $0x86F0;
	v6 =	vmul.f32 $8.000000000e+00, v9;
	[tilespmem:s9+$0xFFFFFFE0] =	vst v7;
	v2 =	vld [tilespmem:s28+$0xFFFFFFC0]  }
.LBB2_5:
0x84: {  	v7 =	vld [tilespmem:s26+$0xFFFFFFD0];
	v3 =	vmul.f32 $8.000000000e+00, v3;
	[tilespmem:s13+$0x0] =	vst v5  }
0x85: {  	s10 =	sadd.s32 $0x4, s10;
	v4 =	vmul.f32 $8.000000000e+00, v4;
	[tilespmem:s9+$0xFFFFFEE0] =	vst v6;
	v5 =	vld [tilespmem:s6+$0xFFFFFFF0]  }
0x86: {  	p0 =	slt.u32 s10, $0x7C;
	v6 =	vld [tilespmem:s26+$0xFFFFFF50];
	[tilespmem:s9+$0xFFFFFF60] =	vst v3;
	v1 =	vmul.f32 $8.000000000e+00, v1  }
0x87: {  	v3 =	vld [tilespmem:s26+$0xFFFFFF90];
	[tilespmem:s9+$0xFFFFFE60] =	vst v4;
	v0 =	vmul.f32 $8.000000000e+00, v0  }
0x88: {  	v4 =	vld [tilespmem:s26+$0xFFFFFF10];
	[tilespmem:s13+$0xFFFFFE80] =	vst v1;
	v1 =	vmul.f32 $8.000000000e+00, v2  }
0x89: {  	v2 =	vmul.f32 $8.000000000e+00, v7;
	v7 =	vld [tilespmem:s6+$0xFFFFFF30];
	[tilespmem:s13+$0xFFFFFF00] =	vst v0  }
0x8a: {  	v0 =	vld [tilespmem:s6+$0xFFFFFF70];
	v5 =	vmul.f32 $8.000000000e+00, v5;
	[tilespmem:s13+$0xFFFFFF80] =	vst v1;
	s13 =	smov.u32 s9;
	s9 =	sadd.s32 $0x200, s9  }
0x8b: {  	v1 =	vmul.f32 $8.000000000e+00, v6;
	[tilespmem:s9+$0xFFFFFFD0] =	vst v2;
	v2 =	vld [tilespmem:s6+$0xFFFFFFB0]  }
0x8c: {  	v3 =	vmul.f32 $8.000000000e+00, v3;
	v6 =	vld [tilespmem:s26+$0xFFFFFFE0];
	[tilespmem:s13+$0xFFFFFFF0] =	vst v5  }
0x8d: {  	v4 =	vmul.f32 $8.000000000e+00, v4;
	[tilespmem:s9+$0xFFFFFED0] =	vst v1;
	v5 =	vld [tilespmem:s6+$0x0]  }
0x8e: {  	v8 =	vld [tilespmem:s26+$0xFFFFFF60];
	[tilespmem:s9+$0xFFFFFF50] =	vst v3;
	v1 =	vmul.f32 $8.000000000e+00, v7  }
.Ltmp1:
0x8f: {  	[tilespmem:s9+$0xFFFFFE50] =	vst v4;
	v3 =	vld [tilespmem:s26+$0xFFFFFFA0];
	v0 =	vmul.f32 $8.000000000e+00, v0;
	(pc) =	sbr.rel @p0 .LBB2_5-.Ltmp1, $4  }
0x90: {  	v4 =	vld [tilespmem:s26+$0xFFFFFF20];
	[tilespmem:s13+$0xFFFFFE70] =	vst v1;
	v2 =	vmul.f32 $8.000000000e+00, v2  }
0x91: {  	v7 =	vmul.f32 $8.000000000e+00, v6;
	v1 =	vld [tilespmem:s6+$0xFFFFFF40];
	[tilespmem:s13+$0xFFFFFEF0] =	vst v0  }
0x92: {  	v0 =	vld [tilespmem:s6+$0xFFFFFF80];
	[tilespmem:s13+$0xFFFFFF70] =	vst v2;
	v5 =	vmul.f32 $8.000000000e+00, v5  }
0x93: {  	v6 =	vmul.f32 $8.000000000e+00, v8;
	[tilespmem:s9+$0xFFFFFFE0] =	vst v7;
	v2 =	vld [tilespmem:s6+$0xFFFFFFC0];
	s6 =	smov.u32 s26;
	s26 =	sadd.s32 $0x100, s26  }
0x94: {  	_ = 	snop  }
0x95: {  	v4 =	vmul.f32 $8.000000000e+00, v4;
	_ =	sdelay $0x1  }
0x96: {  	v3 =	vmul.f32 $8.000000000e+00, v3;
	v7 =	vld [tilespmem:s6+$0xFFFFFFF0];
	[tilespmem:s9+$0xFFFFFE60] =	vst v4  }
0x97: {  	[tilespmem:s9+$0xFFFFFEE0] =	vst v6;
	v4 =	vld [tilespmem:s6+$0xFFFFFF30]  }
0x98: {  	[tilespmem:s9+$0xFFFFFF60] =	vst v3;
	v3 =	vld [tilespmem:s6+$0xFFFFFF70]  }
0x99: {  	v6 =	vld [tilespmem:s6+$0xFFFFFFB0];
	_ =	sdelay $0x1  }
0x9a: {  	v7 =	vmul.f32 $8.000000000e+00, v7  }
0x9b: {  	v4 =	vmul.f32 $8.000000000e+00, v4  }
0x9c: {  	[tilespmem:s9+$0xFFFFFFF0] =	vst v7;
	v3 =	vmul.f32 $8.000000000e+00, v3  }
0x9d: {  	v7 =	vld [tilespmem:s6+$0x0];
	[tilespmem:s9+$0xFFFFFE70] =	vst v4;
	v4 =	vmul.f32 $8.000000000e+00, v6  }
0x9e: {  	[tilespmem:s9+$0xFFFFFEF0] =	vst v3;
	v6 =	vld [tilespmem:s6+$0xFFFFFF40]  }
0x9f: {  	v1 =	vmul.f32 $8.000000000e+00, v1;
	v3 =	vld [tilespmem:s6+$0xFFFFFF80];
	[tilespmem:s9+$0xFFFFFF70] =	vst v4  }
0xa0: {  	[tilespmem:s13+$0x0] =	vst v5;
	v0 =	vmul.f32 $8.000000000e+00, v0;
	v4 =	vld [tilespmem:s6+$0xFFFFFFC0]  }
0xa1: {  	[tilespmem:s13+$0xFFFFFE80] =	vst v1;
	v1 =	vmul.f32 $8.000000000e+00, v2  }
0xa2: {  	[tilespmem:s13+$0xFFFFFF00] =	vst v0;
	v0 =	vmul.f32 $8.000000000e+00, v7  }
0xa3: {  	[tilespmem:s13+$0xFFFFFF80] =	vst v1;
	v1 =	vmul.f32 $8.000000000e+00, v6  }
0xa4: {  	s0 =	sadd.s32 s0, s8;
	[tilespmem:s9+$0x0] =	vst v0;
	v0 =	vmul.f32 $8.000000000e+00, v3  }
0xa5: {  	s0 =	sshll.u32 s0, $0x4;
	[tilespmem:s9+$0xFFFFFE80] =	vst v1;
	v1 =	vmul.f32 $8.000000000e+00, v4  }
0xa6: {  	s0 =	sand.u32 $0x1FFFE800, s0;
	[tilespmem:s9+$0xFFFFFF00] =	vst v0  }
0xa7: {  	s0 =	sadd.s32 s5, s0;
	[tilespmem:s9+$0xFFFFFF80] =	vst v1  }
0xa8: {  	[hbm4b:s0+s2] =	stream.linear.scatter [tilespmem:s19], [sflag:$0x6], $0x4000, $0x38;
	[tilespmem:$0x1E400] =	vst v63  }
0xa9: {  	p0 =	seq.s32 s30, $0x31;
	_ =	swait.ge [sflag:s20], $0x4000  }
0xaa: {  	s10 =	simm.s32 @!p0 $0x6400;
	s0 =	sshrl.u32 @!p0 s12, $0x2;
	[sflag:s20] =	ssyncset.done $0x0  }
0xab: {  	s9 =	simm.s32 @!p0 $0x80;
	s6 =	sadd.s32 @!p0 $0x200, s0;
	[sflag:s20] =	ssyncadd.s32 $0xFFFFC000  }
0xac: {  	[tilespmem:s10], [sflag:$0x1] =	stream.indirect.gather @!p0 [hbm4b:s4+s9], $0x40, s6, s9, $0xb8;
	[tilespmem:$0x1E400] =	vst v63  }
0xad: {  	_ =	swait.ge [sflag:s21], $0x2000  }
0xae: {  	[sflag:s21] =	ssyncset.done $0x0  }
0xaf: {  	s26 =	simm.s32 $0xA4F0;
	[sflag:s21] =	ssyncadd.s32 $0xFFFFE000  }
0xb0: {  	v0 =	vld [tilespmem:s26+$0xFFFFFFD0];
	_ =	sdelay $0x3  }
0xb1: {  	v1 =	vld [tilespmem:s26+$0xFFFFFF10]  }
0xb2: {  	v2 =	vld [tilespmem:s26+$0xFFFFFF50];
	v0 =	vmul.f32 $8.000000000e+00, v0  }
0xb3: {  	s12 =	simm.s32 $0x165B0;
	v3 =	vld [tilespmem:s26+$0xFFFFFF90]  }
0xb4: {  	[tilespmem:s12+$0xFFFFFFD0] =	vst v0  }
0xb5: {  	v0 =	vld [tilespmem:s26+$0xFFFFFFE0]  }
0xb6: {  	v1 =	vmul.f32 $8.000000000e+00, v1  }
0xb7: {  	v2 =	vmul.f32 $8.000000000e+00, v2  }
0xb8: {  	v3 =	vmul.f32 $8.000000000e+00, v3;
	[tilespmem:s12+$0xFFFFFE50] =	vst v1  }
0xb9: {  	[tilespmem:s12+$0xFFFFFED0] =	vst v2;
	v1 =	vld [tilespmem:s26+$0xFFFFFF20]  }
0xba: {  	[tilespmem:s12+$0xFFFFFF50] =	vst v3;
	v2 =	vld [tilespmem:s26+$0xFFFFFF60];
	v0 =	vmul.f32 $8.000000000e+00, v0  }
0xbb: {  	s6 =	simm.s32 $0xA5F0;
	v3 =	vld [tilespmem:s26+$0xFFFFFFA0]  }
0xbc: {  	[tilespmem:s12+$0xFFFFFFE0] =	vst v0;
	v0 =	vld [tilespmem:s6+$0xFFFFFFD0]  }
0xbd: {  	v4 =	vld [tilespmem:s26+$0xFFFFFFF0]  }
0xbe: {  	v5 =	vld [tilespmem:s6+$0xFFFFFF50];
	v1 =	vmul.f32 $8.000000000e+00, v1  }
0xbf: {  	v6 =	vld [tilespmem:s6+$0xFFFFFF90];
	v2 =	vmul.f32 $8.000000000e+00, v2  }
0xc0: {  	v3 =	vmul.f32 $8.000000000e+00, v3;
	[tilespmem:s12+$0xFFFFFE60] =	vst v1;
	v1 =	vld [tilespmem:s6+$0xFFFFFF10]  }
0xc1: {  	[tilespmem:s12+$0xFFFFFEE0] =	vst v2;
	v2 =	vld [tilespmem:s26+$0xFFFFFF30];
	v0 =	vmul.f32 $8.000000000e+00, v0  }
0xc2: {  	s9 =	simm.s32 $0x167B0;
	[tilespmem:s12+$0xFFFFFF60] =	vst v3;
	v7 =	vld [tilespmem:s26+$0xFFFFFF70];
	v3 =	vmul.f32 $8.000000000e+00, v4  }
0xc3: {  	v4 =	vmul.f32 $8.000000000e+00, v5;
	[tilespmem:s9+$0xFFFFFFD0] =	vst v0;
	v0 =	vld [tilespmem:s26+$0xFFFFFFB0]  }
0xc4: {  	v5 =	vmul.f32 $8.000000000e+00, v6;
	v6 =	vld [tilespmem:s6+$0xFFFFFFE0];
	[tilespmem:s12+$0xFFFFFFF0] =	vst v3  }
0xc5: {  	v1 =	vmul.f32 $8.000000000e+00, v1;
	[tilespmem:s9+$0xFFFFFED0] =	vst v4;
	v8 =	vld [tilespmem:s26+$0x0]  }
0xc6: {  	v2 =	vmul.f32 $8.000000000e+00, v2;
	[tilespmem:s9+$0xFFFFFF50] =	vst v5;
	v9 =	vld [tilespmem:s6+$0xFFFFFF60]  }
0xc7: {  	[tilespmem:s9+$0xFFFFFE50] =	vst v1;
	v5 =	vmul.f32 $8.000000000e+00, v7;
	v3 =	vld [tilespmem:s6+$0xFFFFFFA0]  }
0xc8: {  	v4 =	vld [tilespmem:s6+$0xFFFFFF20];
	[tilespmem:s12+$0xFFFFFE70] =	vst v2;
	v2 =	vmul.f32 $8.000000000e+00, v0  }
0xc9: {  	v1 =	vld [tilespmem:s26+$0xFFFFFF40];
	[tilespmem:s12+$0xFFFFFEF0] =	vst v5;
	v7 =	vmul.f32 $8.000000000e+00, v6  }
0xca: {  	v0 =	vld [tilespmem:s26+$0xFFFFFF80];
	[tilespmem:s12+$0xFFFFFF70] =	vst v2;
	v5 =	vmul.f32 $8.000000000e+00, v8  }
0xcb: {  	s13 =	simm.s32 $0xA6F0;
	s10 =	simm.s32 $0x4;
	v6 =	vmul.f32 $8.000000000e+00, v9;
	[tilespmem:s9+$0xFFFFFFE0] =	vst v7;
	v2 =	vld [tilespmem:s26+$0xFFFFFFC0]  }
.LBB2_7:
0xcc: {  	v7 =	vld [tilespmem:s13+$0xFFFFFFD0];
	v3 =	vmul.f32 $8.000000000e+00, v3;
	[tilespmem:s12+$0x0] =	vst v5  }
0xcd: {  	s10 =	sadd.s32 $0x4, s10;
	v4 =	vmul.f32 $8.000000000e+00, v4;
	[tilespmem:s9+$0xFFFFFEE0] =	vst v6;
	v5 =	vld [tilespmem:s6+$0xFFFFFFF0]  }
0xce: {  	p1 =	slt.u32 s10, $0x7C;
	v6 =	vld [tilespmem:s13+$0xFFFFFF50];
	[tilespmem:s9+$0xFFFFFF60] =	vst v3;
	v1 =	vmul.f32 $8.000000000e+00, v1  }
0xcf: {  	v3 =	vld [tilespmem:s13+$0xFFFFFF90];
	[tilespmem:s9+$0xFFFFFE60] =	vst v4;
	v0 =	vmul.f32 $8.000000000e+00, v0  }
0xd0: {  	v4 =	vld [tilespmem:s13+$0xFFFFFF10];
	[tilespmem:s12+$0xFFFFFE80] =	vst v1;
	v1 =	vmul.f32 $8.000000000e+00, v2  }
0xd1: {  	v2 =	vmul.f32 $8.000000000e+00, v7;
	v7 =	vld [tilespmem:s6+$0xFFFFFF30];
	[tilespmem:s12+$0xFFFFFF00] =	vst v0  }
0xd2: {  	v0 =	vld [tilespmem:s6+$0xFFFFFF70];
	v5 =	vmul.f32 $8.000000000e+00, v5;
	[tilespmem:s12+$0xFFFFFF80] =	vst v1;
	s12 =	smov.u32 s9;
	s9 =	sadd.s32 $0x200, s9  }
0xd3: {  	v1 =	vmul.f32 $8.000000000e+00, v6;
	[tilespmem:s9+$0xFFFFFFD0] =	vst v2;
	v2 =	vld [tilespmem:s6+$0xFFFFFFB0]  }
0xd4: {  	v3 =	vmul.f32 $8.000000000e+00, v3;
	v6 =	vld [tilespmem:s13+$0xFFFFFFE0];
	[tilespmem:s12+$0xFFFFFFF0] =	vst v5  }
0xd5: {  	v4 =	vmul.f32 $8.000000000e+00, v4;
	[tilespmem:s9+$0xFFFFFED0] =	vst v1;
	v5 =	vld [tilespmem:s6+$0x0]  }
0xd6: {  	v8 =	vld [tilespmem:s13+$0xFFFFFF60];
	[tilespmem:s9+$0xFFFFFF50] =	vst v3;
	v1 =	vmul.f32 $8.000000000e+00, v7  }
.Ltmp2:
0xd7: {  	[tilespmem:s9+$0xFFFFFE50] =	vst v4;
	v3 =	vld [tilespmem:s13+$0xFFFFFFA0];
	v0 =	vmul.f32 $8.000000000e+00, v0;
	(pc) =	sbr.rel @p1 .LBB2_7-.Ltmp2, $4  }
0xd8: {  	v4 =	vld [tilespmem:s13+$0xFFFFFF20];
	[tilespmem:s12+$0xFFFFFE70] =	vst v1;
	v2 =	vmul.f32 $8.000000000e+00, v2  }
0xd9: {  	v7 =	vmul.f32 $8.000000000e+00, v6;
	v1 =	vld [tilespmem:s6+$0xFFFFFF40];
	[tilespmem:s12+$0xFFFFFEF0] =	vst v0  }
0xda: {  	v0 =	vld [tilespmem:s6+$0xFFFFFF80];
	[tilespmem:s12+$0xFFFFFF70] =	vst v2;
	v5 =	vmul.f32 $8.000000000e+00, v5  }
0xdb: {  	v6 =	vmul.f32 $8.000000000e+00, v8;
	[tilespmem:s9+$0xFFFFFFE0] =	vst v7;
	v2 =	vld [tilespmem:s6+$0xFFFFFFC0];
	s6 =	smov.u32 s13;
	s13 =	sadd.s32 $0x100, s13  }
0xdc: {  	_ = 	snop  }
0xdd: {  	v4 =	vmul.f32 $8.000000000e+00, v4;
	_ =	sdelay $0x1  }
0xde: {  	v3 =	vmul.f32 $8.000000000e+00, v3;
	v7 =	vld [tilespmem:s6+$0xFFFFFFF0];
	[tilespmem:s9+$0xFFFFFE60] =	vst v4  }
0xdf: {  	[tilespmem:s9+$0xFFFFFEE0] =	vst v6;
	v4 =	vld [tilespmem:s6+$0xFFFFFF30]  }
0xe0: {  	[tilespmem:s9+$0xFFFFFF60] =	vst v3;
	v3 =	vld [tilespmem:s6+$0xFFFFFF70]  }
0xe1: {  	v6 =	vld [tilespmem:s6+$0xFFFFFFB0];
	_ =	sdelay $0x1  }
0xe2: {  	v7 =	vmul.f32 $8.000000000e+00, v7  }
0xe3: {  	v4 =	vmul.f32 $8.000000000e+00, v4  }
0xe4: {  	[tilespmem:s9+$0xFFFFFFF0] =	vst v7;
	v3 =	vmul.f32 $8.000000000e+00, v3  }
0xe5: {  	v7 =	vld [tilespmem:s6+$0x0];
	[tilespmem:s9+$0xFFFFFE70] =	vst v4;
	v4 =	vmul.f32 $8.000000000e+00, v6  }
0xe6: {  	[tilespmem:s9+$0xFFFFFEF0] =	vst v3;
	v6 =	vld [tilespmem:s6+$0xFFFFFF40]  }
0xe7: {  	v1 =	vmul.f32 $8.000000000e+00, v1;
	v3 =	vld [tilespmem:s6+$0xFFFFFF80];
	[tilespmem:s9+$0xFFFFFF70] =	vst v4  }
0xe8: {  	[tilespmem:s12+$0x0] =	vst v5;
	v0 =	vmul.f32 $8.000000000e+00, v0;
	v4 =	vld [tilespmem:s6+$0xFFFFFFC0]  }
0xe9: {  	[tilespmem:s12+$0xFFFFFE80] =	vst v1;
	v1 =	vmul.f32 $8.000000000e+00, v2  }
0xea: {  	[tilespmem:s12+$0xFFFFFF00] =	vst v0;
	v0 =	vmul.f32 $8.000000000e+00, v7  }
0xeb: {  	[tilespmem:s12+$0xFFFFFF80] =	vst v1;
	v1 =	vmul.f32 $8.000000000e+00, v6  }
0xec: {  	s31 =	sadd.s32 s3, s31;
	[tilespmem:s9+$0x0] =	vst v0;
	v0 =	vmul.f32 $8.000000000e+00, v3  }
0xed: {  	s6 =	sshll.u32 s31, $0x4;
	[tilespmem:s9+$0xFFFFFE80] =	vst v1;
	v1 =	vmul.f32 $8.000000000e+00, v4  }
0xee: {  	s6 =	sand.u32 $0x1FFFF000, s6;
	[tilespmem:s9+$0xFFFFFF00] =	vst v0  }
0xef: {  	s6 =	sadd.s32 s5, s6;
	[tilespmem:s9+$0xFFFFFF80] =	vst v1  }
0xf0: {  	[hbm4b:s6+s2] =	stream.linear.scatter [tilespmem:s22], [sflag:$0x7], $0x4000, $0x38;
	[tilespmem:$0x1E400] =	vst v63  }
0xf1: {  	_ =	swait.ge [sflag:s23], $0x4000  }
0xf2: {  	s0 =	sadd.s32 @!p0 $0x280, s0;
	[sflag:s23] =	ssyncset.done $0x0  }
0xf3: {  	s9 =	simm.s32 @!p0 $0x8400;
	s6 =	simm.s32 @!p0 $0x80;
	[sflag:s23] =	ssyncadd.s32 $0xFFFFC000  }
0xf4: {  	[tilespmem:s9], [sflag:$0x2] =	stream.indirect.gather @!p0 [hbm4b:s4+s6], $0x40, s0, s6, $0xb8;
	[tilespmem:$0x1E400] =	vst v63  }
0xf5: {  	_ =	swait.ge [sflag:s24], $0x2000  }
0xf6: {  	[sflag:s24] =	ssyncset.done $0x0  }
0xf7: {  	s13 =	simm.s32 $0xC4F0;
	[sflag:s24] =	ssyncadd.s32 $0xFFFFE000  }
0xf8: {  	v0 =	vld [tilespmem:s13+$0xFFFFFFD0];
	_ =	sdelay $0x3  }
0xf9: {  	v1 =	vld [tilespmem:s13+$0xFFFFFF10]  }
0xfa: {  	v2 =	vld [tilespmem:s13+$0xFFFFFF50];
	v0 =	vmul.f32 $8.000000000e+00, v0  }
0xfb: {  	s0 =	simm.s32 $0x1A5B0;
	v3 =	vld [tilespmem:s13+$0xFFFFFF90]  }
0xfc: {  	[tilespmem:s0+$0xFFFFFFD0] =	vst v0  }
0xfd: {  	v0 =	vld [tilespmem:s13+$0xFFFFFFE0]  }
0xfe: {  	v1 =	vmul.f32 $8.000000000e+00, v1  }
0xff: {  	v2 =	vmul.f32 $8.000000000e+00, v2  }
0x100: {  	v3 =	vmul.f32 $8.000000000e+00, v3;
	[tilespmem:s0+$0xFFFFFE50] =	vst v1  }
0x101: {  	[tilespmem:s0+$0xFFFFFED0] =	vst v2;
	v1 =	vld [tilespmem:s13+$0xFFFFFF20]  }
0x102: {  	[tilespmem:s0+$0xFFFFFF50] =	vst v3;
	v2 =	vld [tilespmem:s13+$0xFFFFFF60];
	v0 =	vmul.f32 $8.000000000e+00, v0  }
0x103: {  	s6 =	simm.s32 $0xC5F0;
	v3 =	vld [tilespmem:s13+$0xFFFFFFA0]  }
0x104: {  	[tilespmem:s0+$0xFFFFFFE0] =	vst v0;
	v0 =	vld [tilespmem:s6+$0xFFFFFFD0]  }
0x105: {  	v4 =	vld [tilespmem:s13+$0xFFFFFFF0]  }
0x106: {  	v5 =	vld [tilespmem:s6+$0xFFFFFF50];
	v1 =	vmul.f32 $8.000000000e+00, v1  }
0x107: {  	v6 =	vld [tilespmem:s6+$0xFFFFFF90];
	v2 =	vmul.f32 $8.000000000e+00, v2  }
0x108: {  	v3 =	vmul.f32 $8.000000000e+00, v3;
	[tilespmem:s0+$0xFFFFFE60] =	vst v1;
	v1 =	vld [tilespmem:s6+$0xFFFFFF10]  }
0x109: {  	[tilespmem:s0+$0xFFFFFEE0] =	vst v2;
	v2 =	vld [tilespmem:s13+$0xFFFFFF30];
	v0 =	vmul.f32 $8.000000000e+00, v0  }
0x10a: {  	s9 =	simm.s32 $0x1A7B0;
	[tilespmem:s0+$0xFFFFFF60] =	vst v3;
	v7 =	vld [tilespmem:s13+$0xFFFFFF70];
	v3 =	vmul.f32 $8.000000000e+00, v4  }
0x10b: {  	v4 =	vmul.f32 $8.000000000e+00, v5;
	[tilespmem:s9+$0xFFFFFFD0] =	vst v0;
	v0 =	vld [tilespmem:s13+$0xFFFFFFB0]  }
0x10c: {  	v5 =	vmul.f32 $8.000000000e+00, v6;
	v6 =	vld [tilespmem:s6+$0xFFFFFFE0];
	[tilespmem:s0+$0xFFFFFFF0] =	vst v3  }
0x10d: {  	v1 =	vmul.f32 $8.000000000e+00, v1;
	[tilespmem:s9+$0xFFFFFED0] =	vst v4;
	v8 =	vld [tilespmem:s13+$0x0]  }
0x10e: {  	v2 =	vmul.f32 $8.000000000e+00, v2;
	[tilespmem:s9+$0xFFFFFF50] =	vst v5;
	v9 =	vld [tilespmem:s6+$0xFFFFFF60]  }
0x10f: {  	[tilespmem:s9+$0xFFFFFE50] =	vst v1;
	v5 =	vmul.f32 $8.000000000e+00, v7;
	v3 =	vld [tilespmem:s6+$0xFFFFFFA0]  }
0x110: {  	v4 =	vld [tilespmem:s6+$0xFFFFFF20];
	[tilespmem:s0+$0xFFFFFE70] =	vst v2;
	v2 =	vmul.f32 $8.000000000e+00, v0  }
0x111: {  	v1 =	vld [tilespmem:s13+$0xFFFFFF40];
	[tilespmem:s0+$0xFFFFFEF0] =	vst v5;
	v7 =	vmul.f32 $8.000000000e+00, v6  }
0x112: {  	v0 =	vld [tilespmem:s13+$0xFFFFFF80];
	[tilespmem:s0+$0xFFFFFF70] =	vst v2;
	v5 =	vmul.f32 $8.000000000e+00, v8  }
0x113: {  	s10 =	simm.s32 $0x4;
	s12 =	simm.s32 $0xC6F0;
	v6 =	vmul.f32 $8.000000000e+00, v9;
	[tilespmem:s9+$0xFFFFFFE0] =	vst v7;
	v2 =	vld [tilespmem:s13+$0xFFFFFFC0]  }
.LBB2_9:
0x114: {  	v7 =	vld [tilespmem:s12+$0xFFFFFFD0];
	v3 =	vmul.f32 $8.000000000e+00, v3;
	[tilespmem:s0+$0x0] =	vst v5  }
0x115: {  	s10 =	sadd.s32 $0x4, s10;
	v4 =	vmul.f32 $8.000000000e+00, v4;
	[tilespmem:s9+$0xFFFFFEE0] =	vst v6;
	v5 =	vld [tilespmem:s6+$0xFFFFFFF0]  }
0x116: {  	p0 =	slt.u32 s10, $0x7C;
	v6 =	vld [tilespmem:s12+$0xFFFFFF50];
	[tilespmem:s9+$0xFFFFFF60] =	vst v3;
	v1 =	vmul.f32 $8.000000000e+00, v1  }
0x117: {  	v3 =	vld [tilespmem:s12+$0xFFFFFF90];
	[tilespmem:s9+$0xFFFFFE60] =	vst v4;
	v0 =	vmul.f32 $8.000000000e+00, v0  }
0x118: {  	v4 =	vld [tilespmem:s12+$0xFFFFFF10];
	[tilespmem:s0+$0xFFFFFE80] =	vst v1;
	v1 =	vmul.f32 $8.000000000e+00, v2  }
0x119: {  	v2 =	vmul.f32 $8.000000000e+00, v7;
	v7 =	vld [tilespmem:s6+$0xFFFFFF30];
	[tilespmem:s0+$0xFFFFFF00] =	vst v0  }
0x11a: {  	v0 =	vld [tilespmem:s6+$0xFFFFFF70];
	v5 =	vmul.f32 $8.000000000e+00, v5;
	[tilespmem:s0+$0xFFFFFF80] =	vst v1;
	s0 =	smov.u32 s9;
	s9 =	sadd.s32 $0x200, s9  }
0x11b: {  	v1 =	vmul.f32 $8.000000000e+00, v6;
	[tilespmem:s9+$0xFFFFFFD0] =	vst v2;
	v2 =	vld [tilespmem:s6+$0xFFFFFFB0]  }
0x11c: {  	v3 =	vmul.f32 $8.000000000e+00, v3;
	v6 =	vld [tilespmem:s12+$0xFFFFFFE0];
	[tilespmem:s0+$0xFFFFFFF0] =	vst v5  }
0x11d: {  	v4 =	vmul.f32 $8.000000000e+00, v4;
	[tilespmem:s9+$0xFFFFFED0] =	vst v1;
	v5 =	vld [tilespmem:s6+$0x0]  }
0x11e: {  	v8 =	vld [tilespmem:s12+$0xFFFFFF60];
	[tilespmem:s9+$0xFFFFFF50] =	vst v3;
	v1 =	vmul.f32 $8.000000000e+00, v7  }
.Ltmp3:
0x11f: {  	[tilespmem:s9+$0xFFFFFE50] =	vst v4;
	v3 =	vld [tilespmem:s12+$0xFFFFFFA0];
	v0 =	vmul.f32 $8.000000000e+00, v0;
	(pc) =	sbr.rel @p0 .LBB2_9-.Ltmp3, $4  }
0x120: {  	v4 =	vld [tilespmem:s12+$0xFFFFFF20];
	[tilespmem:s0+$0xFFFFFE70] =	vst v1;
	v2 =	vmul.f32 $8.000000000e+00, v2  }
0x121: {  	v7 =	vmul.f32 $8.000000000e+00, v6;
	v1 =	vld [tilespmem:s6+$0xFFFFFF40];
	[tilespmem:s0+$0xFFFFFEF0] =	vst v0  }
0x122: {  	v0 =	vld [tilespmem:s6+$0xFFFFFF80];
	[tilespmem:s0+$0xFFFFFF70] =	vst v2;
	v5 =	vmul.f32 $8.000000000e+00, v5  }
0x123: {  	v6 =	vmul.f32 $8.000000000e+00, v8;
	[tilespmem:s9+$0xFFFFFFE0] =	vst v7;
	v2 =	vld [tilespmem:s6+$0xFFFFFFC0];
	s6 =	smov.u32 s12;
	s12 =	sadd.s32 $0x100, s12  }
0x124: {  	v3 =	vmul.f32 $8.000000000e+00, v3  }
0x125: {  	v7 =	vld [tilespmem:s6+$0xFFFFFFF0];
	v4 =	vmul.f32 $8.000000000e+00, v4;
	[tilespmem:s9+$0xFFFFFEE0] =	vst v6  }
0x126: {  	[tilespmem:s9+$0xFFFFFF60] =	vst v3;
	v53 =	vld [tilespmem:s6+$0xFFFFFF70]  }
0x127: {  	[tilespmem:s9+$0xFFFFFE60] =	vst v4;
	v54 =	vld [tilespmem:s6+$0xFFFFFFB0]  }
0x128: {  	v4 =	vld [tilespmem:s6+$0xFFFFFF30];
	_ =	sdelay $0x1  }
0x129: {  	v7 =	vmul.f32 $8.000000000e+00, v7  }
0x12a: {  	v3 =	vmul.f32 $8.000000000e+00, v53  }
0x12b: {  	[tilespmem:s9+$0xFFFFFFF0] =	vst v7;
	v6 =	vmul.f32 $8.000000000e+00, v54  }
0x12c: {  	v55 =	vld [tilespmem:s6+$0x0];
	v4 =	vmul.f32 $8.000000000e+00, v4;
	[tilespmem:s9+$0xFFFFFEF0] =	vst v3  }
0x12d: {  	[tilespmem:s9+$0xFFFFFF70] =	vst v6;
	v57 =	vld [tilespmem:s6+$0xFFFFFF80]  }
0x12e: {  	v1 =	vmul.f32 $8.000000000e+00, v1;
	[tilespmem:s9+$0xFFFFFE70] =	vst v4;
	v58 =	vld [tilespmem:s6+$0xFFFFFFC0]  }
0x12f: {  	[tilespmem:s0+$0x0] =	vst v5;
	v0 =	vmul.f32 $8.000000000e+00, v0;
	v56 =	vld [tilespmem:s6+$0xFFFFFF40]  }
0x130: {  	[tilespmem:s0+$0xFFFFFE80] =	vst v1;
	v59 =	vmul.f32 $8.000000000e+00, v2  }
0x131: {  	s30 =	sadd.s32 $0x1, s30;
	[tilespmem:s0+$0xFFFFFF00] =	vst v0;
	v60 =	vmul.f32 $8.000000000e+00, v55  }
0x132: {  	p0 =	sne.s32 s30, $0x32;
	[tilespmem:s0+$0xFFFFFF80] =	vst v59;
	v62 =	vmul.f32 $8.000000000e+00, v57  }
.Ltmp4:
0x133: {  	s31 =	sadd.s32 s3, s1;
	[tilespmem:s9+$0x0] =	vst v60;
	v63 =	vmul.f32 $8.000000000e+00, v58;
	(pc) =	sbr.rel @p0 .LBB2_2-.Ltmp4, $4  }
0x134: {  	s0 =	sshll.u32 s31, $0x4;
	v61 =	vmul.f32 $8.000000000e+00, v56;
	[tilespmem:s9+$0xFFFFFF00] =	vst v62  }
0x135: {  	s0 =	sand.u32 $0x1FFFF800, s0;
	[tilespmem:s9+$0xFFFFFF80] =	vst v63  }
0x136: {  	s0 =	sadd.s32 s5, s0;
	[tilespmem:s9+$0xFFFFFE80] =	vst v61  }
0x137: {  	[hbm4b:s0+s2] =	stream.linear.scatter [tilespmem:s25], [sflag:$0x8], $0x4000, $0x38;
	[tilespmem:$0x1E400] =	vst v63  }
0x138: {  	s0 =	simm.s32 $0x7  }
0x139: {  	_ =	swait.ge [sflag:s0], $0x4000  }
0x13a: {  	[sflag:s0] =	ssyncset.done $0x0  }
0x13b: {  	s1 =	simm.s32 $0x8;
	[sflag:s0] =	ssyncadd.s32 $0xFFFFC000  }
0x13c: {  	_ =	swait.ge [sflag:s1], $0x4000  }
0x13d: {  	s29 =	sadd.s32 $0x1, s29;
	s31 =	rddreg [dreg:$0x4]  }
0x13e: {  	p0 =	sne.s32 s29, s31  }
.Ltmp5:
0x13f: {  	_ = 	snop;
	(pc) =	sbr.rel @p0 .LBB2_1-.Ltmp5, $3  }
0x140: {  	_ =	sdelay $0x1  }
0x141: {  	[sflag:s1] =	ssyncset.done $0x0  }
0x142: {  	[sflag:s1] =	ssyncadd.s32 $0xFFFFC000  }
0x143: {  	_ =	sfence.sel $0x180000  }
0x144: {  	[bflag:$0x0] =	sbarrier.arrive $0xFFFF  }
0x145: {  	_ =	strace $0x90000047  }
0x146: {  	s0 =	stileid.u32;
	[bflag:$0x2] =	sbarrier.arrive $0xFFFF  }
0x147: {  	p0 =	sne.s32 s0, $0x0;
	s0 =	rddreg [dreg:$0x2]  }
0x148: {  	s0 =	sadd.s32 @!p0 $0x100000, s0  }
0x149: {  	[sflag:s0] =	ssyncadd.tile.s32 @!p0 $0x1;
	_ =	shalt  }
.Lfunc_end2:
_tile_overlayer_lowered:
.L_overlay_start_2:
0x14a: {  	(tag) =	ssettag $0x2  }
0x14b: {  	s0 =	rddreg [dreg:$0x0];
	s2 =	stileid.u32  }
0x14c: {  	s1 =	rddreg [dreg:$0x1];
	p0 =	sne.s32 s2, $0x0  }
0x14d: {  	s3 =	rddreg [dreg:$0x2];
	[bflag:$0x3] =	sbarrier.arrive $0xFFFF;
	s2 =	simm.s32 @!p0 $0x1C09  }
0x14e: {  	[timem:s3], [sflag:s2] =	dma.local @!p0 [hbm:s0], s1  }
0x14f: {  	s0 =	simm.s32 @!p0 $0x9  }
0x150: {  	_ =	swait.ge @!p0 [sflag:s0], s1  }
0x151: {  	s1 =	ssub.s32 @!p0 $0x0, s1;
	[sflag:s0] =	ssyncset.done @!p0 $0x0  }
0x152: {  	[sflag:s0] =	ssyncadd.s32 @!p0 s1  }
0x153: {  	[bflag:$0x3] =	sbarrier.arrive $0xFFFF  }
0x154: {  	_ =	shalt  }

// kernel: sparse-core-data-format-call.cloned.1.call-start
scs
called_computation_lowered:
.L_overlay_start_0:
0x0: {  	s2 =	sld [smem:$0x3FD9]  }
0x1: {  	s3 =	sld [smem:$0x3FFE];
	_ =	sdelay $0x1  }
0x2: {  	s1 =	srdreg.scid  }
0x3: {  	s0 =	sand.u32 $0x1, s1  }
0x4: {  	s18 =	sshll.u32 s0, $0xA;
	s2 =	sadd.s32 s3, s2  }
0x5: {  	s2 =	sadd.s32 s2, s18  }
0x6: {  	[smem:$0x3FC6] =	sst s2  }
0x7: {  	_ = 	snop  }
0x8: {  	s2 =	sld [smem:$0x3FD0];
	(tm) =	ssettm $0x1  }
0x9: {  	s19 =	sld [smem:$0x3FFB];
	_ =	sdelay $0x3  }
0xa: {  	_ =	strace s19  }
0xb: {  	s3 =	sld [smem:$0x3FFC];
	_ =	sdelay $0x3  }
0xc: {  	_ =	strace s3  }
0xd: {  	s3 =	sld [smem:$0x3FFD];
	_ =	sdelay $0x3  }
0xe: {  	_ =	strace s3  }
0xf: {  	_ =	strace $0x8FFFFFFF  }
0x10: {  	s20 =	sld [smem:$0x3FDB];
	_ =	sdelay $0x1  }
0x11: {  	s4 =	simm.s32 $_scs_section_size  }
0x12: {  	s5 =	simm.s32 $_size__tile_overlayer_lowered;
	s6 =	simm.s32 $_tile_overlayer_lowered  }
0x13: {  	s23 =	simm.s32 $0x1BFF;
	s22 =	sshll.u32 s6, $0x1;
	s3 =	sadd.s32 s4, s20  }
0x14: {  	s7 =	simm.s32 $0x0;
	s21 =	sshll.u32 s5, $0x1;
	s5 =	sadd.s32 s22, s3  }
0x15: {  	[timem:s7], [sflag:s23] =	dma.local [hbm:s5], s21  }
0x16: {  	_ =	swait.ge [sflag:s23], s21  }
0x17: {  	s4 =	ssub.s32 $0x0, s21;
	[sflag:s23] =	ssyncset.done $0x0  }
0x18: {  	[sflag:s23] =	ssyncadd.s32 s4;
	_ =	sdelay $0x1  }
0x19: {  	s24 =	simm.s32 $0x1B8B  }
0x1a: {  	_ =	swait.ge [sflag:s24], $0x1  }
0x1b: {  	[sflag:s24] =	ssyncset.done $0x0  }
0x1c: {  	s26 =	simm.s32 $0x1B8E;
	s25 =	sld [smem:$0x3FFE];
	[sflag:s24] =	ssyncadd.s32 $0xFFFFFFFF  }
0x1d: {  	s27 =	simm.s32 $execute0_lowered;
	[smem:$0x3FD2] =	sst s26  }
0x1e: {  	s5 =	sshll.u32 s27, $0x1;
	_ =	strace $0x80000049;
	[dreg:$0x1] =	wrdreg $0xFFFFFFFF  }
0x1f: {  	s28 =	simm.s32 $_size_execute0_lowered;
	s3 =	sadd.s32 s3, s5;
	[dreg:$0x0] =	wrdreg $0x0  }
0x20: {  	s5 =	sshll.u32 s28, $0x1;
	[dreg:$0x2] =	wrdreg s3  }
0x21: {  	[dreg:$0x3] =	wrdreg s5  }
0x22: {  	[dreg:$0x4] =	wrdreg $0xC0  }
0x23: {  	_ =	task [dreg:s7], $0x5FFFF  }
0x24: {  	[dreg:$0x1] =	wrdreg $0xFFFFFFFF  }
0x25: {  	[dreg:$0x0] =	wrdreg $0x60  }
0x26: {  	[dreg:$0x2] =	wrdreg s25  }
0x27: {  	[dreg:$0x3] =	wrdreg s2  }
0x28: {  	[dreg:$0x4] =	wrdreg $0x9  }
0x29: {  	_ =	task.clear_ibuf [dreg:s7], $0x5FFFF;
	_ =	strace $0x90000049  }
0x2a: {  	s29 =	simm.s32 $0x9;
	_ =	strace $0x8000004B  }
0x2b: {  	_ =	swait.ge [sflag:s29], $0x1  }
0x2c: {  	[sflag:s29] =	ssyncadd.s32 $0xFFFFFFFF  }
0x2d: {  	_ =	strace $0x9000004B  }
0x2e: {  	_ =	sfence  }
0x2f: {  	s30 =	sld [smem:$0x0];
	_ =	sdelay $0x2  }
0x30: {  	s31 =	sshll.u32 s1, $0xD;
	s1 =	sshrl.u32 s1, $0x2  }
0x31: {  	s3 =	sand.u32 $0x4000, s31;
	s1 =	sadd.s32 s1, s30  }
0x32: {  	s0 =	sor.u32 s3, s0;
	s1 =	sshll.u32 s1, $0x11  }
0x33: {  	s0 =	sor.u32 s1, s0  }
0x34: {  	s0 =	sadd.s32 $0x8F2B, s0  }
0x35: {  	[sflag:s0] =	ssyncadd.remote.s32 $0x1  }
0x36: {  	_ =	sfence.sel $0xFFFF  }
0x37: {  	[dreg:$0x0] =	wrdreg $0xFFFFFFFF;
	(pc) =	sbr.abs _section_cstart, $3  }
0x38: {  	[dreg:$0x1] =	wrdreg $0xFFFFFFFF  }
0x39: {  	_ =	task.clear_ibuf [dreg:s7], $0x2FFFF;
	_ =	strace $0x9FFFFFFF  }
0x3a: {  	(tm) =	ssettm $0x7FFFFFFF  }
0x3b: {  	_ =	shalt  }
tec
execute0_lowered:
.L_overlay_start_1:
0x0: {  	(tag) =	ssettag $0x1  }
0x1: {  	s0 =	srdreg.scid  }
0x2: {  	s1 =	sshll.u32 s0, $0x4  }
0x3: {  	s0 =	stileid.u32;
	s1 =	sand.u32 $0x10, s1  }
0x4: {  	s1 =	sor.u32 s0, s1  }
0x5: {  	s6 =	rddreg [dreg:$0x0];
	s4 =	simm.s32 $0x1;
	s2 =	sshll.u32 s1, $0x7  }
0x6: {  	s7 =	simm.s32 $0x2;
	s12 =	simm.s32 $0x0;
	s1 =	ssub.s32 $0x1000, s2  }
0x7: {  	s8 =	simm.s32 $0x8000;
	s13 =	simm.s32 $0x0;
	s3 =	sand.u32 $0xF80, s1  }
0x8: {  	s9 =	simm.s32 $0x0;
	s5 =	sshrl.u32 s1, $0xC;
	p0 =	sne.s32 s3, $0x0  }
.Ltmp0:
0x9: {  	s1 =	rddreg [dreg:$0x2];
	s4 =	simm.s32 @!p0 $0x0;
	(pc) =	sbr.rel .LBB1_1-.Ltmp0, $4  }
0xa: {  	s11 =	simm.s32 $0x0;
	s3 =	rddreg [dreg:$0x1];
	s5 =	sadd.s32 s4, s5  }
0xb: {  	_ =	strace $0x8000004A;
	s4 =	simm.s32 $0x1;
	s5 =	smul.u32 $0xC8, s5  }
0xc: {  	s6 =	sadd.s32 $0xA00, s6;
	s10 =	smov.u32 s2;
	[sflag:s4] =	ssyncpa.u1 $0x0  }
0xd: {  	p0 =	por $0x0, $0x0;
	[sflag:s7] =	ssyncpa.u1 $0x0;
	s7 =	sor.u32 $0x1, s5  }
.LBB1_4:
0xe: {  	s16 =	sshll.u32 s13, $0x3;
	s17 =	sand.u32 $0x78, s13  }
0xf: {  	s30 =	sand.u32 $0x7E00, s13;
	s12 =	sshll.u32 s12, $0xF;
	s16 =	sand.u32 $0xC00, s16  }
0x10: {  	[tilespmem:s15+$0x810 ss:$0x81] =	vst.msk $0xffff, v2;
	s31 =	sand.u32 $0x7, s13;
	s16 =	sor.u32 s17, s16;
	s17 =	sadd.s32 s3, s30  }
0x11: {  	[tilespmem:s15+$0x1020 ss:$0x81] =	vst.msk $0xffff, v0;
	s13 =	sshll.u32 s31, $0x12;
	s12 =	sadd.s32 s12, s17;
	s16 =	sshrl.u32 s16, $0x3  }
0x12: {  	[tilespmem:s15+$0x0 ss:$0x81] =	vst.msk $0xffff, v1;
	s13 =	sor.u32 $0x400, s13;
	s12 =	sadd.s32 s16, s12  }
0x13: {  	[hbm4b:s12+s13] =	stream.strided.scatter [tilespmem:s14], [sflag:$0x2], $0x2000, s8, s13, $0x20;
	[tilespmem:$0x8080] =	vst v63  }
.LBB1_5:
0x14: {  	s14 =	sadd.s32 $0x1, s9  }
0x15: {  	s12 =	sadd.s32 $0x1000, s10;
	s16 =	smov.u32 s10;
	p2 =	sgt.s32 s14, $0xC7  }
0x16: {  	s16 =	smov.u32 @p2 s12  }
0x17: {  	s14 =	simm.s32 @p2 $0x0;
	p2 =	sgt.s32 s16, $0xFFF  }
0x18: {  	s16 =	smov.u32 @p2 s2;
	p2 =	sne.s32 s11, s7  }
.Ltmp1:
0x19: {  	p1 =	slt.u32 s11, $0x2;
	(pc) =	sbr.rel @!p2 .LBB1_6-.Ltmp1, $4  }
0x1a: {  	s15 =	simm.s32 @!p1 $0x2  }
0x1b: {  	s13 =	smov.u32 s10;
	p0 =	por !p0, !p0;
	_ =	swait.ge @!p1 [sflag:s15], $0x2000  }
0x1c: {  	s12 =	smov.u32 s9;
	[sflag:s15] =	ssyncset.done @!p1 $0x0;
	s9 =	smov.u32 s14  }
0x1d: {  	s11 =	sadd.s32 $0x1, s11;
	[sflag:s15] =	ssyncadd.s32 @!p1 $0xFFFFE000;
	s10 =	smov.u32 s16  }
.LBB1_1:
0x1e: {  	p1 =	sge.u32 s11, s5  }
0x1f: {  	s14 =	sand.u32 @!p1 $0x1FFFFFF, s9  }
0x20: {  	s15 =	smulhi.u32 @!p1 $0x147AE15, s14;
	_ =	sdelay $0x1  }
0x21: {  	s15 =	smul.u32 @!p1 $0xC8, s15  }
0x22: {  	s16 =	sxor.u32 @!p1 $0xFFFFFFFF, s11;
	s17 =	smul.u32 @!p1 $0xC80, s10  }
0x23: {  	s31 =	sadd.s32 $0xFFFFFFFF, s11;
	s16 =	sshll.u32 @!p1 s16, $0xD;
	s14 =	ssub.s32 @!p1 s14, s15  }
0x24: {  	s15 =	sand.u32 @!p1 $0x2000, s16;
	s16 =	sadd.s32 @!p1 s6, s17;
	s14 =	sshll.u32 @!p1 s14, $0x4  }
0x25: {  	s17 =	simm.s32 @!p1 $0x6400;
	s14 =	sadd.s32 @!p1 s14, s16;
	s16 =	simm.s32 @!p1 $0x40  }
0x26: {  	[tilespmem:s15], [sflag:$0x1] =	stream.strided.gather @!p1 [hbm4b:s14+s16], $0x2000, s17, s16, $0x38;
	[tilespmem:$0x8080] =	vst v63  }
0x27: {  	p1 =	sge.u32 s31, s5  }
.Ltmp2:
0x28: {  	_ = 	snop;
	(pc) =	sbr.rel @p1 .LBB1_5-.Ltmp2, $1  }
0x29: {  	_ =	sdelay $0x3  }
0x2a: {  	s14 =	simm.s32 $0x1  }
0x2b: {  	_ =	swait.ge [sflag:s4], $0x2000;
	s14 =	simm.s32 @!p0 $0x0  }
0x2c: {  	[sflag:s4] =	ssyncset.done $0x0;
	s15 =	sshll.u32 s14, $0xD  }
0x2d: {  	[sflag:s4] =	ssyncadd.s32 $0xFFFFE000;
	s18 =	sor.u32 $0x20, s15  }
0x2e: {  	s14 =	smul.u32 $0x8100, s14;
	v3 =	vld [tilespmem:s18+$0x10]  }
0x2f: {  	s30 =	sand.u32 $0x1, s11;
	v2 =	vld [tilespmem:s18+$0xFFFFFFF0]  }
0x30: {  	s15 =	smul.u32 $0x8100, s30;
	s14 =	sshrl.u32 s14, $0x2;
	v0 =	vld [tilespmem:s18+$0x0]  }
0x31: {  	v1 =	vld [tilespmem:s18+$0xFFFFFFE0];
	s16 =	sor.u32 $0x4000, s14  }
0x32: {  	s31 =	sshrl.u32 s15, $0x2;
	s15 =	sadd.s32 $0x0, s16  }
0x33: {  	s17 =	simm.s32 $0x4;
	s18 =	sadd.s32 $0x40, s18;
	s14 =	sor.u32 $0x4000, s31;
	[tilespmem:s15+$0x1830 ss:$0x81] =	vst.msk $0xffff, v3  }
.LBB1_3:
0x34: {  	v3 =	vld [tilespmem:s18+$0x10];
	p1 =	sne.s32 s17, $0x1FC;
	[tilespmem:s15+$0x810 ss:$0x81] =	vst.msk $0xffff, v2;
	s19 =	smov.u32 s17;
	s17 =	sadd.s32 $0x4, s17  }
.Ltmp3:
0x35: {  	v2 =	vld [tilespmem:s18+$0xFFFFFFF0];
	[tilespmem:s15+$0x1020 ss:$0x81] =	vst.msk $0xffff, v0;
	(pc) =	sbr.rel @p1 .LBB1_3-.Ltmp3, $4  }
0x36: {  	v0 =	vld [tilespmem:s18+$0x0];
	[tilespmem:s15+$0x0 ss:$0x81] =	vst.msk $0xffff, v1  }
0x37: {  	s15 =	sshra.s32 s19, $0x2;
	v1 =	vld [tilespmem:s18+$0xFFFFFFE0]  }
0x38: {  	s15 =	sadd.s32 s15, s16  }
0x39: {  	s18 =	sadd.s32 $0x40, s18;
	[tilespmem:s15+$0x1830 ss:$0x81] =	vst.msk $0xffff, v3  }
.Ltmp4:
0x3a: {  	_ = 	snop;
	(pc) =	sbr.rel .LBB1_4-.Ltmp4, $1  }
0x3b: {  	_ =	sdelay $0x3  }
.LBB1_6:
0x3c: {  	_ =	sfence.sel $0x180000  }
0x3d: {  	s2 =	simm.s32 $0x1;
	[bflag:$0x0] =	sbarrier.arrive $0xFFFF  }
0x3e: {  	s31 =	simm.s32 $0x2;
	[sflag:s2] =	ssyncpa.u1 $0x1  }
0x3f: {  	[sflag:s31] =	ssyncpa.u1 $0x1  }
0x40: {  	p0 =	sne.s32 s0, $0x0;
	_ =	strace $0x9000004A  }
0x41: {  	s0 =	sadd.s32 @!p0 $0x100000, s1;
	[bflag:$0x2] =	sbarrier.arrive $0xFFFF  }
0x42: {  	[sflag:s0] =	ssyncadd.tile.s32 @!p0 $0x1;
	_ =	shalt  }
.Lfunc_end1:
_tile_overlayer_lowered:
.L_overlay_start_2:
0x43: {  	(tag) =	ssettag $0x2  }
0x44: {  	s0 =	rddreg [dreg:$0x0];
	s2 =	stileid.u32  }
0x45: {  	s1 =	rddreg [dreg:$0x1];
	p0 =	sne.s32 s2, $0x0  }
0x46: {  	s3 =	rddreg [dreg:$0x2];
	[bflag:$0x3] =	sbarrier.arrive $0xFFFF;
	s2 =	simm.s32 @!p0 $0x1C01  }
0x47: {  	[timem:s3], [sflag:s2] =	dma.local @!p0 [hbm:s0], s1  }
0x48: {  	s0 =	simm.s32 @!p0 $0x1  }
0x49: {  	_ =	swait.ge @!p0 [sflag:s0], s1  }
0x4a: {  	s1 =	ssub.s32 @!p0 $0x0, s1;
	[sflag:s0] =	ssyncset.done @!p0 $0x0  }
0x4b: {  	[sflag:s0] =	ssyncadd.s32 @!p0 s1  }
0x4c: {  	[bflag:$0x3] =	sbarrier.arrive $0xFFFF  }
0x4d: {  	_ =	shalt  }

</sc_bundles>
